<compile_context>
chip_gen: v7x
topology: tpu7x:2x2x1
jax: 0.10.2.dev20260603
libtpu: 0.0.44.dev20260713+nightly
codegen_flags: <defaults>
</compile_context>

<pallas_src>
import jax
import jax.numpy as jnp
from jax import lax
from jax.experimental import pallas as pl
from jax.experimental.pallas import tpu as pltpu
from jax.experimental.pallas import tpu_sc as plsc

_NC, _NS, _LANES = 2, 16, 16


def _score_rank_body(x_ref, w_ref, wrep_ref, bias_ref,
                     score_ref, rank_ref, rep_ref, srow_ref, rank_sc_ref):
    x = x_ref[0]
    w = w_ref[...]
    wrep = wrep_ref[...]
    bias = bias_ref[0, 0]
    s = x.shape[0]
    srow = lax.dot_general(w, x, (((1,), (1,)), ((), ())),
                           preferred_element_type=jnp.float32) + bias
    rep = lax.dot_general(x, wrep, (((1,), (0,)), ((), ())),
                          preferred_element_type=jnp.float32) + bias
    score_ref[0] = srow
    rep_ref[...] = rep

    ch = 16
    reps = s // 128
    nacc = 4

    for g in range(reps):
        srow_ref[g] = srow[:, g * 128:(g + 1) * 128]

    def gbody(g, _):
        srow_g = srow_ref[g]
        accs = [jnp.zeros((ch, 128), jnp.int32) for _ in range(nacc)]
        for k in range(s // ch):
            sj = rep_ref[pl.ds(k * ch, ch), :]
            accs[k % nacc] = accs[k % nacc] + (sj > srow_g).astype(jnp.int32)
        tot = accs[0] + accs[1] + accs[2] + accs[3]
        rank_sc_ref[g] = jnp.sum(tot, axis=0, keepdims=True)
        return 0

    lax.fori_loop(0, reps, gbody, 0)
    rank_ref[0] = jnp.concatenate([rank_sc_ref[g] for g in range(reps)],
                                  axis=1)


def _score_rank(inputs, w, wrep, bias2d):
    bsz, s, d = inputs.shape
    score3, rank3 = pl.pallas_call(
        _score_rank_body,
        grid=(bsz,),
        in_specs=[
            pl.BlockSpec((1, s, d), lambda i: (i, 0, 0)),
            pl.BlockSpec((1, d), lambda i: (0, 0)),
            pl.BlockSpec((d, 128), lambda i: (0, 0)),
            pl.BlockSpec(memory_space=pltpu.SMEM),
        ],
        out_specs=[
            pl.BlockSpec((1, 1, s), lambda i: (i, 0, 0)),
            pl.BlockSpec((1, 1, s), lambda i: (i, 0, 0)),
        ],
        out_shape=[
            jax.ShapeDtypeStruct((bsz, 1, s), jnp.float32),
            jax.ShapeDtypeStruct((bsz, 1, s), jnp.int32),
        ],
        scratch_shapes=[
            pltpu.VMEM((s, 128), jnp.float32),
            pltpu.VMEM((s // 128, 1, 128), jnp.float32),
            pltpu.VMEM((s // 128, 1, 128), jnp.int32),
        ],
        compiler_params=pltpu.CompilerParams(
            dimension_semantics=("parallel",)),
    )(inputs, w, wrep, bias2d)
    return score3[:, 0, :], rank3[:, 0, :]


def _scatter_body(score_hbm, rank_hbm, svals_hbm, chosen_hbm,
                  sc_v, rk_v, ov_v, oi_v, cnt_v):
    s = sc_v.shape[0]
    rows_per = score_hbm.shape[0] // (_NC * _NS)
    wid = lax.axis_index("s") * _NC + lax.axis_index("c")
    zeros16 = jnp.zeros((_LANES,), jnp.int32)

    for r in range(rows_per):
        row = wid * rows_per + r
        pltpu.sync_copy(score_hbm.at[row], sc_v)
        pltpu.sync_copy(rank_hbm.at[row], rk_v)

        def zero(k, _):
            cnt_v[pl.ds(k * _LANES, _LANES)] = zeros16
            return 0

        lax.fori_loop(0, s // _LANES, zero, 0)

        def body(k, _):
            base = k * _LANES
            idx = rk_v[pl.ds(base, _LANES)]
            vals = sc_v[pl.ds(base, _LANES)]
            ii = lax.broadcasted_iota(jnp.int32, (_LANES,), 0) + base
            dup, last = plsc.scan_count(idx)
            prev = plsc.load_gather(cnt_v, [idx])
            pos = idx + prev + dup - 1
            plsc.store_scatter(ov_v, [pos], vals)
            plsc.store_scatter(oi_v, [pos], ii)
            plsc.store_scatter(cnt_v, [idx], prev + dup, mask=last)
            return 0

        lax.fori_loop(0, s // _LANES, body, 0)
        pltpu.sync_copy(ov_v, svals_hbm.at[row])
        pltpu.sync_copy(oi_v, chosen_hbm.at[row])


def _sc_scatter(score, rank):
    bsz, s = score.shape
    mesh = plsc.VectorSubcoreMesh(core_axis_name="c", subcore_axis_name="s")
    run = pl.kernel(
        _scatter_body,
        out_type=[
            jax.ShapeDtypeStruct((bsz, s), jnp.float32),
            jax.ShapeDtypeStruct((bsz, s), jnp.int32),
        ],
        mesh=mesh,
        scratch_types=[
            pltpu.VMEM((s,), jnp.float32),
            pltpu.VMEM((s,), jnp.int32),
            pltpu.VMEM((s,), jnp.float32),
            pltpu.VMEM((s,), jnp.int32),
            pltpu.VMEM((s,), jnp.int32),
        ],
        compiler_params=pltpu.CompilerParams(needs_layout_passes=False),
    )
    return run(score, rank)


def _suffix_lse_body(v_ref, out_ref):
    v = v_ref[...]
    rb, s = v.shape
    acc = v
    d = 1
    while d < s:
        pad = jnp.full((rb, d), -jnp.inf, jnp.float32)
        shifted = jnp.concatenate([acc[:, d:], pad], axis=1)
        m = jnp.maximum(acc, shifted)
        acc = m + jnp.log1p(jnp.exp(-jnp.abs(acc - shifted)))
        d *= 2
    out_ref[...] = v - acc


def _suffix_lse(svals):
    bsz, s = svals.shape
    rb = 8
    return pl.pallas_call(
        _suffix_lse_body,
        grid=(bsz // rb,),
        in_specs=[pl.BlockSpec((rb, s), lambda i: (i, 0))],
        out_specs=pl.BlockSpec((rb, s), lambda i: (i, 0)),
        out_shape=jax.ShapeDtypeStruct((bsz, s), jnp.float32),
        compiler_params=pltpu.CompilerParams(
            dimension_semantics=("parallel",)),
    )(svals)


def kernel(inputs, W, b, argmax):
    del argmax
    wrep = jnp.tile(W.reshape(-1, 1), (1, 128))
    score, rank = _score_rank(inputs, W, wrep,
                              b.reshape(1, 1).astype(jnp.float32))
    svals, chosens = _sc_scatter(score, rank)
    logps = _suffix_lse(svals)
    return logps, chosens

# --- scband reference (transcript-rebuilt; emitter-appended) ---
"""Pipeline reference for scband-linear-actor-2035814498408 (READ-ONLY COPY).

The authoritative reference and input builder live on the scoring server;
editing this copy changes nothing except your own understanding.
"""

import jax, jax.numpy as jnp
import numpy as np

B, S, D = 64, 2048, 128

def setup_inputs(seed: int = 0):
    key = jax.random.key(seed)
    k1, k2, k3 = jax.random.split(key, 3)
    inputs = jax.random.normal(k1, (B, S, D), dtype=jnp.float32)
    W = jax.random.normal(k2, (1, D), dtype=jnp.float32) * (1.0 / np.sqrt(D))
    b = jax.random.normal(k3, (1,), dtype=jnp.float32) * 0.01
    return {"inputs": inputs, "W": W, "b": b, "argmax": 1}

def reference(inputs, W, b, argmax):
    # Faithful port of LinearActor.forward with argmax=True (greedy decode).
    Bz, Sz, Dz = inputs.shape
    # self.layer(inputs).squeeze() is identical every step; masking happens per step.
    score_base = (jnp.matmul(inputs, W.T) + b)[..., 0]  # [B, S]
    rows = jnp.arange(Bz)
    mask0 = jnp.zeros((Bz, Sz), dtype=bool)

    def step(mask, _):
        score = jnp.where(mask, jnp.float32(-100000000.0), score_base)
        prob = jax.nn.softmax(score, axis=-1)
        chosen = jnp.argmax(prob, axis=-1)  # argmax branch of Categorical
        logp = jnp.log(jnp.take_along_axis(prob, chosen[:, None], axis=1)[:, 0])
        new_mask = mask.at[rows, chosen].set(True)
        return new_mask, (logp, chosen)

    _, (logps, chosens) = jax.lax.scan(step, mask0, None, length=Sz)
    # scan stacks along leading (step) axis -> transpose to [B, S]
    return jnp.transpose(logps), jnp.transpose(chosens)

if __name__ == "__main__":
    import jax
    _d = setup_inputs()
    print(jax.jit(kernel)(*tuple(_d.values())))

</pallas_src>

<mosaic_0001>
#map = affine_map<(d0, d1) -> (0, 0)>
module attributes {stable_mosaic.version = 14 : i64} {
  func.func @_scatter_body(%arg0: i32, %arg1: i32, %arg2: memref<64x2048xf32, #tpu.memory_space<hbm>>, %arg3: memref<64x2048xi32, #tpu.memory_space<hbm>>, %arg4: memref<64x2048xf32, #tpu.memory_space<hbm>>, %arg5: memref<64x2048xi32, #tpu.memory_space<hbm>>, %arg6: memref<2048xf32, #tpu.memory_space<vmem>>, %arg7: memref<2048xi32, #tpu.memory_space<vmem>>, %arg8: memref<2048xf32, #tpu.memory_space<vmem>>, %arg9: memref<2048xi32, #tpu.memory_space<vmem>>, %arg10: memref<2048xi32, #tpu.memory_space<vmem>>) attributes {dimension_semantics = [#tpu.dimension_semantics<core_parallel>, #tpu.dimension_semantics<subcore_parallel>], iteration_bounds = array<i64: 2, 16>, scalar_prefetch = 0 : i64, scratch_operands = 5 : i64, tpu.core_type = #tpu.core_type<sc_vector_subcore>, window_params = [{transform_indices = #map}, {transform_indices = #map}, {transform_indices = #map}, {transform_indices = #map}]} {
    %mul3A = arith.constant 2 : i32
    %mul3A_0 = arith.muli %arg1, %mul3A : i32
    %add3A = arith.addi %mul3A_0, %arg0 : i32
    %broadcast_in_dim3A = arith.constant 0 : i32
    %broadcast_in_dim3A_1 = vector.broadcast %broadcast_in_dim3A : i32 to vector<16xi32>
    %mul3A_2 = arith.constant 2 : i32
    %mul3A_3 = arith.muli %add3A, %mul3A_2 : i32
    %add3A_4 = arith.constant 0 : i32
    %add3A_5 = arith.addi %mul3A_3, %add3A_4 : i32
    "tpu.region"() ({
      %run_scoped3A = tpu.sem_alloc : memref<!tpu.dma_semaphore, #tpu.memory_space<semaphore_mem>>
      %dma_start3A = arith.constant 0 : i32
      %dma_start3A_37 = tpu.memref_slice %arg2[%add3A_5, %dma_start3A] : memref<64x2048xf32, #tpu.memory_space<hbm>> -> memref<1x2048xf32, #tpu.memory_space<hbm>>
      %dma_start3A_38 = tpu.memref_squeeze %dma_start3A_37 : memref<1x2048xf32, #tpu.memory_space<hbm>> -> memref<2048xf32, #tpu.memory_space<hbm>>
      %dma_start3A_39 = arith.constant 0 : i32
      %dma_start3A_40 = tpu.memref_slice %arg2[%add3A_5, %dma_start3A_39] : memref<64x2048xf32, #tpu.memory_space<hbm>> -> memref<1x2048xf32, #tpu.memory_space<hbm>>
      %dma_start3A_41 = tpu.memref_squeeze %dma_start3A_40 : memref<1x2048xf32, #tpu.memory_space<hbm>> -> memref<2048xf32, #tpu.memory_space<hbm>>
      tpu.enqueue_dma source(%dma_start3A_41 : memref<2048xf32, #tpu.memory_space<hbm>>) target(%arg6 : memref<2048xf32, #tpu.memory_space<vmem>>) target_semaphore(%run_scoped3A : memref<!tpu.dma_semaphore, #tpu.memory_space<semaphore_mem>>)
      %dma_wait3A = arith.constant 0 : i32
      %dma_wait3A_42 = tpu.memref_slice %arg2[%add3A_5, %dma_wait3A] : memref<64x2048xf32, #tpu.memory_space<hbm>> -> memref<1x2048xf32, #tpu.memory_space<hbm>>
      %dma_wait3A_43 = tpu.memref_squeeze %dma_wait3A_42 : memref<1x2048xf32, #tpu.memory_space<hbm>> -> memref<2048xf32, #tpu.memory_space<hbm>>
      %dma_wait3A_44 = arith.constant 0 : i32
      %dma_wait3A_45 = tpu.memref_slice %arg2[%add3A_5, %dma_wait3A_44] : memref<64x2048xf32, #tpu.memory_space<hbm>> -> memref<1x2048xf32, #tpu.memory_space<hbm>>
      %dma_wait3A_46 = tpu.memref_squeeze %dma_wait3A_45 : memref<1x2048xf32, #tpu.memory_space<hbm>> -> memref<2048xf32, #tpu.memory_space<hbm>>
      tpu.wait_dma2 semaphore(%run_scoped3A : memref<!tpu.dma_semaphore, #tpu.memory_space<semaphore_mem>>) src(%dma_wait3A_46 : memref<2048xf32, #tpu.memory_space<hbm>>) dst(%arg6 : memref<2048xf32, #tpu.memory_space<vmem>>)
      tpu.yield
    }) : () -> ()
    "tpu.region"() ({
      %run_scoped3A = tpu.sem_alloc : memref<!tpu.dma_semaphore, #tpu.memory_space<semaphore_mem>>
      %dma_start3A = arith.constant 0 : i32
      %dma_start3A_37 = tpu.memref_slice %arg3[%add3A_5, %dma_start3A] : memref<64x2048xi32, #tpu.memory_space<hbm>> -> memref<1x2048xi32, #tpu.memory_space<hbm>>
      %dma_start3A_38 = tpu.memref_squeeze %dma_start3A_37 : memref<1x2048xi32, #tpu.memory_space<hbm>> -> memref<2048xi32, #tpu.memory_space<hbm>>
      %dma_start3A_39 = arith.constant 0 : i32
      %dma_start3A_40 = tpu.memref_slice %arg3[%add3A_5, %dma_start3A_39] : memref<64x2048xi32, #tpu.memory_space<hbm>> -> memref<1x2048xi32, #tpu.memory_space<hbm>>
      %dma_start3A_41 = tpu.memref_squeeze %dma_start3A_40 : memref<1x2048xi32, #tpu.memory_space<hbm>> -> memref<2048xi32, #tpu.memory_space<hbm>>
      tpu.enqueue_dma source(%dma_start3A_41 : memref<2048xi32, #tpu.memory_space<hbm>>) target(%arg7 : memref<2048xi32, #tpu.memory_space<vmem>>) target_semaphore(%run_scoped3A : memref<!tpu.dma_semaphore, #tpu.memory_space<semaphore_mem>>)
      %dma_wait3A = arith.constant 0 : i32
      %dma_wait3A_42 = tpu.memref_slice %arg3[%add3A_5, %dma_wait3A] : memref<64x2048xi32, #tpu.memory_space<hbm>> -> memref<1x2048xi32, #tpu.memory_space<hbm>>
      %dma_wait3A_43 = tpu.memref_squeeze %dma_wait3A_42 : memref<1x2048xi32, #tpu.memory_space<hbm>> -> memref<2048xi32, #tpu.memory_space<hbm>>
      %dma_wait3A_44 = arith.constant 0 : i32
      %dma_wait3A_45 = tpu.memref_slice %arg3[%add3A_5, %dma_wait3A_44] : memref<64x2048xi32, #tpu.memory_space<hbm>> -> memref<1x2048xi32, #tpu.memory_space<hbm>>
      %dma_wait3A_46 = tpu.memref_squeeze %dma_wait3A_45 : memref<1x2048xi32, #tpu.memory_space<hbm>> -> memref<2048xi32, #tpu.memory_space<hbm>>
      tpu.wait_dma2 semaphore(%run_scoped3A : memref<!tpu.dma_semaphore, #tpu.memory_space<semaphore_mem>>) src(%dma_wait3A_46 : memref<2048xi32, #tpu.memory_space<hbm>>) dst(%arg7 : memref<2048xi32, #tpu.memory_space<vmem>>)
      tpu.yield
    }) : () -> ()
    %scan3A = arith.constant 0 : i32
    %scan3A_6 = arith.constant 0 : i32
    %scan3A_7 = arith.constant 128 : i32
    %scan3A_8 = arith.addi %scan3A_6, %scan3A_7 : i32
    %scan3A_9 = arith.constant 1 : i32
    %scan3A_10 = scf.for %scan3A_37 = %scan3A_6 to %scan3A_8 step %scan3A_9 iter_args(%scan3A_38 = %scan3A) -> (i32)  : i32 {
      %mul3A_39 = arith.constant 16 : i32
      %mul3A_40 = arith.muli %scan3A_37, %mul3A_39 : i32
      %swap3A = arith.index_cast %mul3A_40 : i32 to index
      %swap3A_41 = tpu.vector_load %arg10[%swap3A] {strides = array<i32>} : memref<2048xi32, #tpu.memory_space<vmem>>, vector<16xi32>,
      tpu.vector_store %arg10[%swap3A], %broadcast_in_dim3A_1 {strides = array<i32>} : memref<2048xi32, #tpu.memory_space<vmem>>, vector<16xi32>,
      %scan3A_42 = arith.constant 0 : i32
      scf.yield %scan3A_42 : i32
    }
    %scan3A_11 = arith.constant 128 : i32
    %scan3A_12 = arith.constant 0 : i32
    %scan3A_13 = arith.constant 0 : i32
    %scan3A_14 = arith.constant 128 : i32
    %scan3A_15 = arith.addi %scan3A_13, %scan3A_14 : i32
    %scan3A_16 = arith.constant 1 : i32
    %scan3A_17 = scf.for %scan3A_37 = %scan3A_13 to %scan3A_15 step %scan3A_16 iter_args(%scan3A_38 = %scan3A_12) -> (i32)  : i32 {
      %mul3A_39 = arith.constant 16 : i32
      %mul3A_40 = arith.muli %scan3A_37, %mul3A_39 : i32
      %get3A = arith.index_cast %mul3A_40 : i32 to index
      %get3A_41 = tpu.vector_load %arg7[%get3A] {strides = array<i32>} : memref<2048xi32, #tpu.memory_space<vmem>>, vector<16xi32>,
      %get3A_42 = arith.index_cast %mul3A_40 : i32 to index
      %get3A_43 = tpu.vector_load %arg6[%get3A_42] {strides = array<i32>} : memref<2048xf32, #tpu.memory_space<vmem>>, vector<16xf32>,
      %iota3A = tpu.iota {dimensions = array<i32: 0>} : vector<16xi32>
      %add3A_44 = vector.broadcast %mul3A_40 : i32 to vector<16xi32>
      %add3A_45 = arith.addi %iota3A, %add3A_44 : vector<16xi32>
      %broadcast_in_dim3A_46 = arith.constant true
      %broadcast_in_dim3A_47 = vector.broadcast %broadcast_in_dim3A_46 : i1 to vector<16xi1>
      %unique3A, %unique3A_48 = tpu.scan_count mask(%broadcast_in_dim3A_47 : vector<16xi1>) value(%get3A_41 : vector<16xi32>) : vector<16xi1>, vector<16xi32>
      %gather3A = tpu.vector_load_idx %arg10[%get3A_41] : memref<2048xi32, #tpu.memory_space<vmem>>[vector<16xi32>], vector<16xi32>,
      %add3A_49 = arith.addi %get3A_41, %gather3A : vector<16xi32>
      %add3A_50 = arith.addi %add3A_49, %unique3A_48 : vector<16xi32>
      %sub3A = arith.constant 1 : i32
      %sub3A_51 = vector.broadcast %sub3A : i32 to vector<16xi32>
      %sub3A_52 = arith.subi %add3A_50, %sub3A_51 : vector<16xi32>
      tpu.vector_store_idx %arg8[%sub3A_52], %get3A_43 : memref<2048xf32, #tpu.memory_space<vmem>>[vector<16xi32>], vector<16xf32>,
      tpu.vector_store_idx %arg9[%sub3A_52], %add3A_45 : memref<2048xi32, #tpu.memory_space<vmem>>[vector<16xi32>], vector<16xi32>,
      %add3A_53 = arith.addi %gather3A, %unique3A_48 : vector<16xi32>
      tpu.vector_store_idx %arg10[%get3A_41], %add3A_53 masked %unique3A : memref<2048xi32, #tpu.memory_space<vmem>>[vector<16xi32>], vector<16xi32>, vector<16xi1>
      %scan3A_54 = arith.constant 0 : i32
      scf.yield %scan3A_54 : i32
    }
    %scan3A_18 = arith.constant 128 : i32
    "tpu.region"() ({
      %run_scoped3A = tpu.sem_alloc : memref<!tpu.dma_semaphore, #tpu.memory_space<semaphore_mem>>
      %dma_start3A = arith.constant 0 : i32
      %dma_start3A_37 = tpu.memref_slice %arg4[%add3A_5, %dma_start3A] : memref<64x2048xf32, #tpu.memory_space<hbm>> -> memref<1x2048xf32, #tpu.memory_space<hbm>>
      %dma_start3A_38 = tpu.memref_squeeze %dma_start3A_37 : memref<1x2048xf32, #tpu.memory_space<hbm>> -> memref<2048xf32, #tpu.memory_space<hbm>>
      %dma_start3A_39 = arith.constant 0 : i32
      %dma_start3A_40 = tpu.memref_slice %arg4[%add3A_5, %dma_start3A_39] : memref<64x2048xf32, #tpu.memory_space<hbm>> -> memref<1x2048xf32, #tpu.memory_space<hbm>>
      %dma_start3A_41 = tpu.memref_squeeze %dma_start3A_40 : memref<1x2048xf32, #tpu.memory_space<hbm>> -> memref<2048xf32, #tpu.memory_space<hbm>>
      tpu.enqueue_dma source(%arg8 : memref<2048xf32, #tpu.memory_space<vmem>>) target(%dma_start3A_41 : memref<2048xf32, #tpu.memory_space<hbm>>) target_semaphore(%run_scoped3A : memref<!tpu.dma_semaphore, #tpu.memory_space<semaphore_mem>>)
      %dma_wait3A = arith.constant 0 : i32
      %dma_wait3A_42 = tpu.memref_slice %arg4[%add3A_5, %dma_wait3A] : memref<64x2048xf32, #tpu.memory_space<hbm>> -> memref<1x2048xf32, #tpu.memory_space<hbm>>
      %dma_wait3A_43 = tpu.memref_squeeze %dma_wait3A_42 : memref<1x2048xf32, #tpu.memory_space<hbm>> -> memref<2048xf32, #tpu.memory_space<hbm>>
      %dma_wait3A_44 = arith.constant 0 : i32
      %dma_wait3A_45 = tpu.memref_slice %arg4[%add3A_5, %dma_wait3A_44] : memref<64x2048xf32, #tpu.memory_space<hbm>> -> memref<1x2048xf32, #tpu.memory_space<hbm>>
      %dma_wait3A_46 = tpu.memref_squeeze %dma_wait3A_45 : memref<1x2048xf32, #tpu.memory_space<hbm>> -> memref<2048xf32, #tpu.memory_space<hbm>>
      tpu.wait_dma2 semaphore(%run_scoped3A : memref<!tpu.dma_semaphore, #tpu.memory_space<semaphore_mem>>) src(%arg8 : memref<2048xf32, #tpu.memory_space<vmem>>) dst(%dma_wait3A_46 : memref<2048xf32, #tpu.memory_space<hbm>>)
      tpu.yield
    }) : () -> ()
    "tpu.region"() ({
      %run_scoped3A = tpu.sem_alloc : memref<!tpu.dma_semaphore, #tpu.memory_space<semaphore_mem>>
      %dma_start3A = arith.constant 0 : i32
      %dma_start3A_37 = tpu.memref_slice %arg5[%add3A_5, %dma_start3A] : memref<64x2048xi32, #tpu.memory_space<hbm>> -> memref<1x2048xi32, #tpu.memory_space<hbm>>
      %dma_start3A_38 = tpu.memref_squeeze %dma_start3A_37 : memref<1x2048xi32, #tpu.memory_space<hbm>> -> memref<2048xi32, #tpu.memory_space<hbm>>
      %dma_start3A_39 = arith.constant 0 : i32
      %dma_start3A_40 = tpu.memref_slice %arg5[%add3A_5, %dma_start3A_39] : memref<64x2048xi32, #tpu.memory_space<hbm>> -> memref<1x2048xi32, #tpu.memory_space<hbm>>
      %dma_start3A_41 = tpu.memref_squeeze %dma_start3A_40 : memref<1x2048xi32, #tpu.memory_space<hbm>> -> memref<2048xi32, #tpu.memory_space<hbm>>
      tpu.enqueue_dma source(%arg9 : memref<2048xi32, #tpu.memory_space<vmem>>) target(%dma_start3A_41 : memref<2048xi32, #tpu.memory_space<hbm>>) target_semaphore(%run_scoped3A : memref<!tpu.dma_semaphore, #tpu.memory_space<semaphore_mem>>)
      %dma_wait3A = arith.constant 0 : i32
      %dma_wait3A_42 = tpu.memref_slice %arg5[%add3A_5, %dma_wait3A] : memref<64x2048xi32, #tpu.memory_space<hbm>> -> memref<1x2048xi32, #tpu.memory_space<hbm>>
      %dma_wait3A_43 = tpu.memref_squeeze %dma_wait3A_42 : memref<1x2048xi32, #tpu.memory_space<hbm>> -> memref<2048xi32, #tpu.memory_space<hbm>>
      %dma_wait3A_44 = arith.constant 0 : i32
      %dma_wait3A_45 = tpu.memref_slice %arg5[%add3A_5, %dma_wait3A_44] : memref<64x2048xi32, #tpu.memory_space<hbm>> -> memref<1x2048xi32, #tpu.memory_space<hbm>>
      %dma_wait3A_46 = tpu.memref_squeeze %dma_wait3A_45 : memref<1x2048xi32, #tpu.memory_space<hbm>> -> memref<2048xi32, #tpu.memory_space<hbm>>
      tpu.wait_dma2 semaphore(%run_scoped3A : memref<!tpu.dma_semaphore, #tpu.memory_space<semaphore_mem>>) src(%arg9 : memref<2048xi32, #tpu.memory_space<vmem>>) dst(%dma_wait3A_46 : memref<2048xi32, #tpu.memory_space<hbm>>)
      tpu.yield
    }) : () -> ()
    %mul3A_19 = arith.constant 2 : i32
    %mul3A_20 = arith.muli %add3A, %mul3A_19 : i32
    %add3A_21 = arith.constant 1 : i32
    %add3A_22 = arith.addi %mul3A_20, %add3A_21 : i32
    "tpu.region"() ({
      %run_scoped3A = tpu.sem_alloc : memref<!tpu.dma_semaphore, #tpu.memory_space<semaphore_mem>>
      %dma_start3A = arith.constant 0 : i32
      %dma_start3A_37 = tpu.memref_slice %arg2[%add3A_22, %dma_start3A] : memref<64x2048xf32, #tpu.memory_space<hbm>> -> memref<1x2048xf32, #tpu.memory_space<hbm>>
      %dma_start3A_38 = tpu.memref_squeeze %dma_start3A_37 : memref<1x2048xf32, #tpu.memory_space<hbm>> -> memref<2048xf32, #tpu.memory_space<hbm>>
      %dma_start3A_39 = arith.constant 0 : i32
      %dma_start3A_40 = tpu.memref_slice %arg2[%add3A_22, %dma_start3A_39] : memref<64x2048xf32, #tpu.memory_space<hbm>> -> memref<1x2048xf32, #tpu.memory_space<hbm>>
      %dma_start3A_41 = tpu.memref_squeeze %dma_start3A_40 : memref<1x2048xf32, #tpu.memory_space<hbm>> -> memref<2048xf32, #tpu.memory_space<hbm>>
      tpu.enqueue_dma source(%dma_start3A_41 : memref<2048xf32, #tpu.memory_space<hbm>>) target(%arg6 : memref<2048xf32, #tpu.memory_space<vmem>>) target_semaphore(%run_scoped3A : memref<!tpu.dma_semaphore, #tpu.memory_space<semaphore_mem>>)
      %dma_wait3A = arith.constant 0 : i32
      %dma_wait3A_42 = tpu.memref_slice %arg2[%add3A_22, %dma_wait3A] : memref<64x2048xf32, #tpu.memory_space<hbm>> -> memref<1x2048xf32, #tpu.memory_space<hbm>>
      %dma_wait3A_43 = tpu.memref_squeeze %dma_wait3A_42 : memref<1x2048xf32, #tpu.memory_space<hbm>> -> memref<2048xf32, #tpu.memory_space<hbm>>
      %dma_wait3A_44 = arith.constant 0 : i32
      %dma_wait3A_45 = tpu.memref_slice %arg2[%add3A_22, %dma_wait3A_44] : memref<64x2048xf32, #tpu.memory_space<hbm>> -> memref<1x2048xf32, #tpu.memory_space<hbm>>
      %dma_wait3A_46 = tpu.memref_squeeze %dma_wait3A_45 : memref<1x2048xf32, #tpu.memory_space<hbm>> -> memref<2048xf32, #tpu.memory_space<hbm>>
      tpu.wait_dma2 semaphore(%run_scoped3A : memref<!tpu.dma_semaphore, #tpu.memory_space<semaphore_mem>>) src(%dma_wait3A_46 : memref<2048xf32, #tpu.memory_space<hbm>>) dst(%arg6 : memref<2048xf32, #tpu.memory_space<vmem>>)
      tpu.yield
    }) : () -> ()
    "tpu.region"() ({
      %run_scoped3A = tpu.sem_alloc : memref<!tpu.dma_semaphore, #tpu.memory_space<semaphore_mem>>
      %dma_start3A = arith.constant 0 : i32
      %dma_start3A_37 = tpu.memref_slice %arg3[%add3A_22, %dma_start3A] : memref<64x2048xi32, #tpu.memory_space<hbm>> -> memref<1x2048xi32, #tpu.memory_space<hbm>>
      %dma_start3A_38 = tpu.memref_squeeze %dma_start3A_37 : memref<1x2048xi32, #tpu.memory_space<hbm>> -> memref<2048xi32, #tpu.memory_space<hbm>>
      %dma_start3A_39 = arith.constant 0 : i32
      %dma_start3A_40 = tpu.memref_slice %arg3[%add3A_22, %dma_start3A_39] : memref<64x2048xi32, #tpu.memory_space<hbm>> -> memref<1x2048xi32, #tpu.memory_space<hbm>>
      %dma_start3A_41 = tpu.memref_squeeze %dma_start3A_40 : memref<1x2048xi32, #tpu.memory_space<hbm>> -> memref<2048xi32, #tpu.memory_space<hbm>>
      tpu.enqueue_dma source(%dma_start3A_41 : memref<2048xi32, #tpu.memory_space<hbm>>) target(%arg7 : memref<2048xi32, #tpu.memory_space<vmem>>) target_semaphore(%run_scoped3A : memref<!tpu.dma_semaphore, #tpu.memory_space<semaphore_mem>>)
      %dma_wait3A = arith.constant 0 : i32
      %dma_wait3A_42 = tpu.memref_slice %arg3[%add3A_22, %dma_wait3A] : memref<64x2048xi32, #tpu.memory_space<hbm>> -> memref<1x2048xi32, #tpu.memory_space<hbm>>
      %dma_wait3A_43 = tpu.memref_squeeze %dma_wait3A_42 : memref<1x2048xi32, #tpu.memory_space<hbm>> -> memref<2048xi32, #tpu.memory_space<hbm>>
      %dma_wait3A_44 = arith.constant 0 : i32
      %dma_wait3A_45 = tpu.memref_slice %arg3[%add3A_22, %dma_wait3A_44] : memref<64x2048xi32, #tpu.memory_space<hbm>> -> memref<1x2048xi32, #tpu.memory_space<hbm>>
      %dma_wait3A_46 = tpu.memref_squeeze %dma_wait3A_45 : memref<1x2048xi32, #tpu.memory_space<hbm>> -> memref<2048xi32, #tpu.memory_space<hbm>>
      tpu.wait_dma2 semaphore(%run_scoped3A : memref<!tpu.dma_semaphore, #tpu.memory_space<semaphore_mem>>) src(%dma_wait3A_46 : memref<2048xi32, #tpu.memory_space<hbm>>) dst(%arg7 : memref<2048xi32, #tpu.memory_space<vmem>>)
      tpu.yield
    }) : () -> ()
    %scan3A_23 = arith.constant 0 : i32
    %scan3A_24 = arith.constant 0 : i32
    %scan3A_25 = arith.constant 128 : i32
    %scan3A_26 = arith.addi %scan3A_24, %scan3A_25 : i32
    %scan3A_27 = arith.constant 1 : i32
    %scan3A_28 = scf.for %scan3A_37 = %scan3A_24 to %scan3A_26 step %scan3A_27 iter_args(%scan3A_38 = %scan3A_23) -> (i32)  : i32 {
      %mul3A_39 = arith.constant 16 : i32
      %mul3A_40 = arith.muli %scan3A_37, %mul3A_39 : i32
      %swap3A = arith.index_cast %mul3A_40 : i32 to index
      %swap3A_41 = tpu.vector_load %arg10[%swap3A] {strides = array<i32>} : memref<2048xi32, #tpu.memory_space<vmem>>, vector<16xi32>,
      tpu.vector_store %arg10[%swap3A], %broadcast_in_dim3A_1 {strides = array<i32>} : memref<2048xi32, #tpu.memory_space<vmem>>, vector<16xi32>,
      %scan3A_42 = arith.constant 0 : i32
      scf.yield %scan3A_42 : i32
    }
    %scan3A_29 = arith.constant 128 : i32
    %scan3A_30 = arith.constant 0 : i32
    %scan3A_31 = arith.constant 0 : i32
    %scan3A_32 = arith.constant 128 : i32
    %scan3A_33 = arith.addi %scan3A_31, %scan3A_32 : i32
    %scan3A_34 = arith.constant 1 : i32
    %scan3A_35 = scf.for %scan3A_37 = %scan3A_31 to %scan3A_33 step %scan3A_34 iter_args(%scan3A_38 = %scan3A_30) -> (i32)  : i32 {
      %mul3A_39 = arith.constant 16 : i32
      %mul3A_40 = arith.muli %scan3A_37, %mul3A_39 : i32
      %get3A = arith.index_cast %mul3A_40 : i32 to index
      %get3A_41 = tpu.vector_load %arg7[%get3A] {strides = array<i32>} : memref<2048xi32, #tpu.memory_space<vmem>>, vector<16xi32>,
      %get3A_42 = arith.index_cast %mul3A_40 : i32 to index
      %get3A_43 = tpu.vector_load %arg6[%get3A_42] {strides = array<i32>} : memref<2048xf32, #tpu.memory_space<vmem>>, vector<16xf32>,
      %iota3A = tpu.iota {dimensions = array<i32: 0>} : vector<16xi32>
      %add3A_44 = vector.broadcast %mul3A_40 : i32 to vector<16xi32>
      %add3A_45 = arith.addi %iota3A, %add3A_44 : vector<16xi32>
      %broadcast_in_dim3A_46 = arith.constant true
      %broadcast_in_dim3A_47 = vector.broadcast %broadcast_in_dim3A_46 : i1 to vector<16xi1>
      %unique3A, %unique3A_48 = tpu.scan_count mask(%broadcast_in_dim3A_47 : vector<16xi1>) value(%get3A_41 : vector<16xi32>) : vector<16xi1>, vector<16xi32>
      %gather3A = tpu.vector_load_idx %arg10[%get3A_41] : memref<2048xi32, #tpu.memory_space<vmem>>[vector<16xi32>], vector<16xi32>,
      %add3A_49 = arith.addi %get3A_41, %gather3A : vector<16xi32>
      %add3A_50 = arith.addi %add3A_49, %unique3A_48 : vector<16xi32>
      %sub3A = arith.constant 1 : i32
      %sub3A_51 = vector.broadcast %sub3A : i32 to vector<16xi32>
      %sub3A_52 = arith.subi %add3A_50, %sub3A_51 : vector<16xi32>
      tpu.vector_store_idx %arg8[%sub3A_52], %get3A_43 : memref<2048xf32, #tpu.memory_space<vmem>>[vector<16xi32>], vector<16xf32>,
      tpu.vector_store_idx %arg9[%sub3A_52], %add3A_45 : memref<2048xi32, #tpu.memory_space<vmem>>[vector<16xi32>], vector<16xi32>,
      %add3A_53 = arith.addi %gather3A, %unique3A_48 : vector<16xi32>
      tpu.vector_store_idx %arg10[%get3A_41], %add3A_53 masked %unique3A : memref<2048xi32, #tpu.memory_space<vmem>>[vector<16xi32>], vector<16xi32>, vector<16xi1>
      %scan3A_54 = arith.constant 0 : i32
      scf.yield %scan3A_54 : i32
    }
    %scan3A_36 = arith.constant 128 : i32
    "tpu.region"() ({
      %run_scoped3A = tpu.sem_alloc : memref<!tpu.dma_semaphore, #tpu.memory_space<semaphore_mem>>
      %dma_start3A = arith.constant 0 : i32
      %dma_start3A_37 = tpu.memref_slice %arg4[%add3A_22, %dma_start3A] : memref<64x2048xf32, #tpu.memory_space<hbm>> -> memref<1x2048xf32, #tpu.memory_space<hbm>>
      %dma_start3A_38 = tpu.memref_squeeze %dma_start3A_37 : memref<1x2048xf32, #tpu.memory_space<hbm>> -> memref<2048xf32, #tpu.memory_space<hbm>>
      %dma_start3A_39 = arith.constant 0 : i32
      %dma_start3A_40 = tpu.memref_slice %arg4[%add3A_22, %dma_start3A_39] : memref<64x2048xf32, #tpu.memory_space<hbm>> -> memref<1x2048xf32, #tpu.memory_space<hbm>>
      %dma_start3A_41 = tpu.memref_squeeze %dma_start3A_40 : memref<1x2048xf32, #tpu.memory_space<hbm>> -> memref<2048xf32, #tpu.memory_space<hbm>>
      tpu.enqueue_dma source(%arg8 : memref<2048xf32, #tpu.memory_space<vmem>>) target(%dma_start3A_41 : memref<2048xf32, #tpu.memory_space<hbm>>) target_semaphore(%run_scoped3A : memref<!tpu.dma_semaphore, #tpu.memory_space<semaphore_mem>>)
      %dma_wait3A = arith.constant 0 : i32
      %dma_wait3A_42 = tpu.memref_slice %arg4[%add3A_22, %dma_wait3A] : memref<64x2048xf32, #tpu.memory_space<hbm>> -> memref<1x2048xf32, #tpu.memory_space<hbm>>
      %dma_wait3A_43 = tpu.memref_squeeze %dma_wait3A_42 : memref<1x2048xf32, #tpu.memory_space<hbm>> -> memref<2048xf32, #tpu.memory_space<hbm>>
      %dma_wait3A_44 = arith.constant 0 : i32
      %dma_wait3A_45 = tpu.memref_slice %arg4[%add3A_22, %dma_wait3A_44] : memref<64x2048xf32, #tpu.memory_space<hbm>> -> memref<1x2048xf32, #tpu.memory_space<hbm>>
      %dma_wait3A_46 = tpu.memref_squeeze %dma_wait3A_45 : memref<1x2048xf32, #tpu.memory_space<hbm>> -> memref<2048xf32, #tpu.memory_space<hbm>>
      tpu.wait_dma2 semaphore(%run_scoped3A : memref<!tpu.dma_semaphore, #tpu.memory_space<semaphore_mem>>) src(%arg8 : memref<2048xf32, #tpu.memory_space<vmem>>) dst(%dma_wait3A_46 : memref<2048xf32, #tpu.memory_space<hbm>>)
      tpu.yield
    }) : () -> ()
    "tpu.region"() ({
      %run_scoped3A = tpu.sem_alloc : memref<!tpu.dma_semaphore, #tpu.memory_space<semaphore_mem>>
      %dma_start3A = arith.constant 0 : i32
      %dma_start3A_37 = tpu.memref_slice %arg5[%add3A_22, %dma_start3A] : memref<64x2048xi32, #tpu.memory_space<hbm>> -> memref<1x2048xi32, #tpu.memory_space<hbm>>
      %dma_start3A_38 = tpu.memref_squeeze %dma_start3A_37 : memref<1x2048xi32, #tpu.memory_space<hbm>> -> memref<2048xi32, #tpu.memory_space<hbm>>
      %dma_start3A_39 = arith.constant 0 : i32
      %dma_start3A_40 = tpu.memref_slice %arg5[%add3A_22, %dma_start3A_39] : memref<64x2048xi32, #tpu.memory_space<hbm>> -> memref<1x2048xi32, #tpu.memory_space<hbm>>
      %dma_start3A_41 = tpu.memref_squeeze %dma_start3A_40 : memref<1x2048xi32, #tpu.memory_space<hbm>> -> memref<2048xi32, #tpu.memory_space<hbm>>
      tpu.enqueue_dma source(%arg9 : memref<2048xi32, #tpu.memory_space<vmem>>) target(%dma_start3A_41 : memref<2048xi32, #tpu.memory_space<hbm>>) target_semaphore(%run_scoped3A : memref<!tpu.dma_semaphore, #tpu.memory_space<semaphore_mem>>)
      %dma_wait3A = arith.constant 0 : i32
      %dma_wait3A_42 = tpu.memref_slice %arg5[%add3A_22, %dma_wait3A] : memref<64x2048xi32, #tpu.memory_space<hbm>> -> memref<1x2048xi32, #tpu.memory_space<hbm>>
      %dma_wait3A_43 = tpu.memref_squeeze %dma_wait3A_42 : memref<1x2048xi32, #tpu.memory_space<hbm>> -> memref<2048xi32, #tpu.memory_space<hbm>>
      %dma_wait3A_44 = arith.constant 0 : i32
      %dma_wait3A_45 = tpu.memref_slice %arg5[%add3A_22, %dma_wait3A_44] : memref<64x2048xi32, #tpu.memory_space<hbm>> -> memref<1x2048xi32, #tpu.memory_space<hbm>>
      %dma_wait3A_46 = tpu.memref_squeeze %dma_wait3A_45 : memref<1x2048xi32, #tpu.memory_space<hbm>> -> memref<2048xi32, #tpu.memory_space<hbm>>
      tpu.wait_dma2 semaphore(%run_scoped3A : memref<!tpu.dma_semaphore, #tpu.memory_space<semaphore_mem>>) src(%arg9 : memref<2048xi32, #tpu.memory_space<vmem>>) dst(%dma_wait3A_46 : memref<2048xi32, #tpu.memory_space<hbm>>)
      tpu.yield
    }) : () -> ()
    return
  }
}

module attributes {stable_mosaic.version = 14 : i64} {
  func.func @_suffix_lse_body(%arg0: i32, %arg1: memref<8x2048xf32, #tpu.memory_space<vmem>>, %arg2: memref<8x2048xf32, #tpu.memory_space<vmem>>) attributes {dimension_semantics = [#tpu.dimension_semantics<parallel>], iteration_bounds = array<i64: 8>, scalar_prefetch = 0 : i64, scratch_operands = 0 : i64, tpu.core_type = #tpu.core_type<tc>, window_params = [{transform_indices = @transform_0, window_bounds = array<i64: 8, 2048>}, {transform_indices = @transform_1, window_bounds = array<i64: 8, 2048>}]} {
    %get3A = arith.constant 0 : index
    %get3A_0 = arith.constant 0 : index
    %get3A_1 = vector.load %arg1[%get3A, %get3A_0] : memref<8x2048xf32, #tpu.memory_space<vmem>>, vector<8x2048xf32>
    %broadcast_in_dim3A = arith.constant 0xFF800000 : f32
    %broadcast_in_dim3A_2 = vector.broadcast %broadcast_in_dim3A : f32 to vector<8x1xf32>
    %slice3A = vector.extract_strided_slice %get3A_1 {offsets = [0, 1], sizes = [8, 2047], strides = [1, 1]} : vector<8x2048xf32> to vector<8x2047xf32>
    %concatenate3A = tpu.concatenate %slice3A, %broadcast_in_dim3A_2 in 1 : vector<8x2047xf32>, vector<8x1xf32> -> vector<8x2048xf32>
    %max3A = arith.maximumf %get3A_1, %concatenate3A : vector<8x2048xf32>
    %sub3A = arith.subf %get3A_1, %concatenate3A : vector<8x2048xf32>
    %abs3A = math.absf %sub3A : vector<8x2048xf32>
    %neg3A = arith.constant 0.000000e+00 : f32
    %neg3A_3 = vector.broadcast %neg3A : f32 to vector<8x2048xf32>
    %neg3A_4 = arith.subf %neg3A_3, %abs3A : vector<8x2048xf32>
    %exp3A = math.exp %neg3A_4 : vector<8x2048xf32>
    %log1p3A = math.log1p %exp3A : vector<8x2048xf32>
    %add3A = arith.addf %max3A, %log1p3A : vector<8x2048xf32>
    %broadcast_in_dim3A_5 = arith.constant 0xFF800000 : f32
    %broadcast_in_dim3A_6 = vector.broadcast %broadcast_in_dim3A_5 : f32 to vector<8x2xf32>
    %slice3A_7 = vector.extract_strided_slice %add3A {offsets = [0, 2], sizes = [8, 2046], strides = [1, 1]} : vector<8x2048xf32> to vector<8x2046xf32>
    %concatenate3A_8 = tpu.concatenate %slice3A_7, %broadcast_in_dim3A_6 in 1 : vector<8x2046xf32>, vector<8x2xf32> -> vector<8x2048xf32>
    %max3A_9 = arith.maximumf %add3A, %concatenate3A_8 : vector<8x2048xf32>
    %sub3A_10 = arith.subf %add3A, %concatenate3A_8 : vector<8x2048xf32>
    %abs3A_11 = math.absf %sub3A_10 : vector<8x2048xf32>
    %neg3A_12 = arith.constant 0.000000e+00 : f32
    %neg3A_13 = vector.broadcast %neg3A_12 : f32 to vector<8x2048xf32>
    %neg3A_14 = arith.subf %neg3A_13, %abs3A_11 : vector<8x2048xf32>
    %exp3A_15 = math.exp %neg3A_14 : vector<8x2048xf32>
    %log1p3A_16 = math.log1p %exp3A_15 : vector<8x2048xf32>
    %add3A_17 = arith.addf %max3A_9, %log1p3A_16 : vector<8x2048xf32>
    %broadcast_in_dim3A_18 = arith.constant 0xFF800000 : f32
    %broadcast_in_dim3A_19 = vector.broadcast %broadcast_in_dim3A_18 : f32 to vector<8x4xf32>
    %slice3A_20 = vector.extract_strided_slice %add3A_17 {offsets = [0, 4], sizes = [8, 2044], strides = [1, 1]} : vector<8x2048xf32> to vector<8x2044xf32>
    %concatenate3A_21 = tpu.concatenate %slice3A_20, %broadcast_in_dim3A_19 in 1 : vector<8x2044xf32>, vector<8x4xf32> -> vector<8x2048xf32>
    %max3A_22 = arith.maximumf %add3A_17, %concatenate3A_21 : vector<8x2048xf32>
    %sub3A_23 = arith.subf %add3A_17, %concatenate3A_21 : vector<8x2048xf32>
    %abs3A_24 = math.absf %sub3A_23 : vector<8x2048xf32>
    %neg3A_25 = arith.constant 0.000000e+00 : f32
    %neg3A_26 = vector.broadcast %neg3A_25 : f32 to vector<8x2048xf32>
    %neg3A_27 = arith.subf %neg3A_26, %abs3A_24 : vector<8x2048xf32>
    %exp3A_28 = math.exp %neg3A_27 : vector<8x2048xf32>
    %log1p3A_29 = math.log1p %exp3A_28 : vector<8x2048xf32>
    %add3A_30 = arith.addf %max3A_22, %log1p3A_29 : vector<8x2048xf32>
    %broadcast_in_dim3A_31 = arith.constant 0xFF800000 : f32
    %broadcast_in_dim3A_32 = vector.broadcast %broadcast_in_dim3A_31 : f32 to vector<8x8xf32>
    %slice3A_33 = vector.extract_strided_slice %add3A_30 {offsets = [0, 8], sizes = [8, 2040], strides = [1, 1]} : vector<8x2048xf32> to vector<8x2040xf32>
    %concatenate3A_34 = tpu.concatenate %slice3A_33, %broadcast_in_dim3A_32 in 1 : vector<8x2040xf32>, vector<8x8xf32> -> vector<8x2048xf32>
    %max3A_35 = arith.maximumf %add3A_30, %concatenate3A_34 : vector<8x2048xf32>
    %sub3A_36 = arith.subf %add3A_30, %concatenate3A_34 : vector<8x2048xf32>
    %abs3A_37 = math.absf %sub3A_36 : vector<8x2048xf32>
    %neg3A_38 = arith.constant 0.000000e+00 : f32
    %neg3A_39 = vector.broadcast %neg3A_38 : f32 to vector<8x2048xf32>
    %neg3A_40 = arith.subf %neg3A_39, %abs3A_37 : vector<8x2048xf32>
    %exp3A_41 = math.exp %neg3A_40 : vector<8x2048xf32>
    %log1p3A_42 = math.log1p %exp3A_41 : vector<8x2048xf32>
    %add3A_43 = arith.addf %max3A_35, %log1p3A_42 : vector<8x2048xf32>
    %broadcast_in_dim3A_44 = arith.constant 0xFF800000 : f32
    %broadcast_in_dim3A_45 = vector.broadcast %broadcast_in_dim3A_44 : f32 to vector<8x16xf32>
    %slice3A_46 = vector.extract_strided_slice %add3A_43 {offsets = [0, 16], sizes = [8, 2032], strides = [1, 1]} : vector<8x2048xf32> to vector<8x2032xf32>
    %concatenate3A_47 = tpu.concatenate %slice3A_46, %broadcast_in_dim3A_45 in 1 : vector<8x2032xf32>, vector<8x16xf32> -> vector<8x2048xf32>
    %max3A_48 = arith.maximumf %add3A_43, %concatenate3A_47 : vector<8x2048xf32>
    %sub3A_49 = arith.subf %add3A_43, %concatenate3A_47 : vector<8x2048xf32>
    %abs3A_50 = math.absf %sub3A_49 : vector<8x2048xf32>
    %neg3A_51 = arith.constant 0.000000e+00 : f32
    %neg3A_52 = vector.broadcast %neg3A_51 : f32 to vector<8x2048xf32>
    %neg3A_53 = arith.subf %neg3A_52, %abs3A_50 : vector<8x2048xf32>
    %exp3A_54 = math.exp %neg3A_53 : vector<8x2048xf32>
    %log1p3A_55 = math.log1p %exp3A_54 : vector<8x2048xf32>
    %add3A_56 = arith.addf %max3A_48, %log1p3A_55 : vector<8x2048xf32>
    %broadcast_in_dim3A_57 = arith.constant 0xFF800000 : f32
    %broadcast_in_dim3A_58 = vector.broadcast %broadcast_in_dim3A_57 : f32 to vector<8x32xf32>
    %slice3A_59 = vector.extract_strided_slice %add3A_56 {offsets = [0, 32], sizes = [8, 2016], strides = [1, 1]} : vector<8x2048xf32> to vector<8x2016xf32>
    %concatenate3A_60 = tpu.concatenate %slice3A_59, %broadcast_in_dim3A_58 in 1 : vector<8x2016xf32>, vector<8x32xf32> -> vector<8x2048xf32>
    %max3A_61 = arith.maximumf %add3A_56, %concatenate3A_60 : vector<8x2048xf32>
    %sub3A_62 = arith.subf %add3A_56, %concatenate3A_60 : vector<8x2048xf32>
    %abs3A_63 = math.absf %sub3A_62 : vector<8x2048xf32>
    %neg3A_64 = arith.constant 0.000000e+00 : f32
    %neg3A_65 = vector.broadcast %neg3A_64 : f32 to vector<8x2048xf32>
    %neg3A_66 = arith.subf %neg3A_65, %abs3A_63 : vector<8x2048xf32>
    %exp3A_67 = math.exp %neg3A_66 : vector<8x2048xf32>
    %log1p3A_68 = math.log1p %exp3A_67 : vector<8x2048xf32>
    %add3A_69 = arith.addf %max3A_61, %log1p3A_68 : vector<8x2048xf32>
    %broadcast_in_dim3A_70 = arith.constant 0xFF800000 : f32
    %broadcast_in_dim3A_71 = vector.broadcast %broadcast_in_dim3A_70 : f32 to vector<8x64xf32>
    %slice3A_72 = vector.extract_strided_slice %add3A_69 {offsets = [0, 64], sizes = [8, 1984], strides = [1, 1]} : vector<8x2048xf32> to vector<8x1984xf32>
    %concatenate3A_73 = tpu.concatenate %slice3A_72, %broadcast_in_dim3A_71 in 1 : vector<8x1984xf32>, vector<8x64xf32> -> vector<8x2048xf32>
    %max3A_74 = arith.maximumf %add3A_69, %concatenate3A_73 : vector<8x2048xf32>
    %sub3A_75 = arith.subf %add3A_69, %concatenate3A_73 : vector<8x2048xf32>
    %abs3A_76 = math.absf %sub3A_75 : vector<8x2048xf32>
    %neg3A_77 = arith.constant 0.000000e+00 : f32
    %neg3A_78 = vector.broadcast %neg3A_77 : f32 to vector<8x2048xf32>
    %neg3A_79 = arith.subf %neg3A_78, %abs3A_76 : vector<8x2048xf32>
    %exp3A_80 = math.exp %neg3A_79 : vector<8x2048xf32>
    %log1p3A_81 = math.log1p %exp3A_80 : vector<8x2048xf32>
    %add3A_82 = arith.addf %max3A_74, %log1p3A_81 : vector<8x2048xf32>
    %broadcast_in_dim3A_83 = arith.constant 0xFF800000 : f32
    %broadcast_in_dim3A_84 = vector.broadcast %broadcast_in_dim3A_83 : f32 to vector<8x128xf32>
    %slice3A_85 = vector.extract_strided_slice %add3A_82 {offsets = [0, 128], sizes = [8, 1920], strides = [1, 1]} : vector<8x2048xf32> to vector<8x1920xf32>
    %concatenate3A_86 = tpu.concatenate %slice3A_85, %broadcast_in_dim3A_84 in 1 : vector<8x1920xf32>, vector<8x128xf32> -> vector<8x2048xf32>
    %max3A_87 = arith.maximumf %add3A_82, %concatenate3A_86 : vector<8x2048xf32>
    %sub3A_88 = arith.subf %add3A_82, %concatenate3A_86 : vector<8x2048xf32>
    %abs3A_89 = math.absf %sub3A_88 : vector<8x2048xf32>
    %neg3A_90 = arith.constant 0.000000e+00 : f32
    %neg3A_91 = vector.broadcast %neg3A_90 : f32 to vector<8x2048xf32>
    %neg3A_92 = arith.subf %neg3A_91, %abs3A_89 : vector<8x2048xf32>
    %exp3A_93 = math.exp %neg3A_92 : vector<8x2048xf32>
    %log1p3A_94 = math.log1p %exp3A_93 : vector<8x2048xf32>
    %add3A_95 = arith.addf %max3A_87, %log1p3A_94 : vector<8x2048xf32>
    %broadcast_in_dim3A_96 = arith.constant 0xFF800000 : f32
    %broadcast_in_dim3A_97 = vector.broadcast %broadcast_in_dim3A_96 : f32 to vector<8x256xf32>
    %slice3A_98 = vector.extract_strided_slice %add3A_95 {offsets = [0, 256], sizes = [8, 1792], strides = [1, 1]} : vector<8x2048xf32> to vector<8x1792xf32>
    %concatenate3A_99 = tpu.concatenate %slice3A_98, %broadcast_in_dim3A_97 in 1 : vector<8x1792xf32>, vector<8x256xf32> -> vector<8x2048xf32>
    %max3A_100 = arith.maximumf %add3A_95, %concatenate3A_99 : vector<8x2048xf32>
    %sub3A_101 = arith.subf %add3A_95, %concatenate3A_99 : vector<8x2048xf32>
    %abs3A_102 = math.absf %sub3A_101 : vector<8x2048xf32>
    %neg3A_103 = arith.constant 0.000000e+00 : f32
    %neg3A_104 = vector.broadcast %neg3A_103 : f32 to vector<8x2048xf32>
    %neg3A_105 = arith.subf %neg3A_104, %abs3A_102 : vector<8x2048xf32>
    %exp3A_106 = math.exp %neg3A_105 : vector<8x2048xf32>
    %log1p3A_107 = math.log1p %exp3A_106 : vector<8x2048xf32>
    %add3A_108 = arith.addf %max3A_100, %log1p3A_107 : vector<8x2048xf32>
    %broadcast_in_dim3A_109 = arith.constant 0xFF800000 : f32
    %broadcast_in_dim3A_110 = vector.broadcast %broadcast_in_dim3A_109 : f32 to vector<8x512xf32>
    %slice3A_111 = vector.extract_strided_slice %add3A_108 {offsets = [0, 512], sizes = [8, 1536], strides = [1, 1]} : vector<8x2048xf32> to vector<8x1536xf32>
    %concatenate3A_112 = tpu.concatenate %slice3A_111, %broadcast_in_dim3A_110 in 1 : vector<8x1536xf32>, vector<8x512xf32> -> vector<8x2048xf32>
    %max3A_113 = arith.maximumf %add3A_108, %concatenate3A_112 : vector<8x2048xf32>
    %sub3A_114 = arith.subf %add3A_108, %concatenate3A_112 : vector<8x2048xf32>
    %abs3A_115 = math.absf %sub3A_114 : vector<8x2048xf32>
    %neg3A_116 = arith.constant 0.000000e+00 : f32
    %neg3A_117 = vector.broadcast %neg3A_116 : f32 to vector<8x2048xf32>
    %neg3A_118 = arith.subf %neg3A_117, %abs3A_115 : vector<8x2048xf32>
    %exp3A_119 = math.exp %neg3A_118 : vector<8x2048xf32>
    %log1p3A_120 = math.log1p %exp3A_119 : vector<8x2048xf32>
    %add3A_121 = arith.addf %max3A_113, %log1p3A_120 : vector<8x2048xf32>
    %broadcast_in_dim3A_122 = arith.constant 0xFF800000 : f32
    %broadcast_in_dim3A_123 = vector.broadcast %broadcast_in_dim3A_122 : f32 to vector<8x1024xf32>
    %slice3A_124 = vector.extract_strided_slice %add3A_121 {offsets = [0, 1024], sizes = [8, 1024], strides = [1, 1]} : vector<8x2048xf32> to vector<8x1024xf32>
    %concatenate3A_125 = tpu.concatenate %slice3A_124, %broadcast_in_dim3A_123 in 1 : vector<8x1024xf32>, vector<8x1024xf32> -> vector<8x2048xf32>
    %max3A_126 = arith.maximumf %add3A_121, %concatenate3A_125 : vector<8x2048xf32>
    %sub3A_127 = arith.subf %add3A_121, %concatenate3A_125 : vector<8x2048xf32>
    %abs3A_128 = math.absf %sub3A_127 : vector<8x2048xf32>
    %neg3A_129 = arith.constant 0.000000e+00 : f32
    %neg3A_130 = vector.broadcast %neg3A_129 : f32 to vector<8x2048xf32>
    %neg3A_131 = arith.subf %neg3A_130, %abs3A_128 : vector<8x2048xf32>
    %exp3A_132 = math.exp %neg3A_131 : vector<8x2048xf32>
    %log1p3A_133 = math.log1p %exp3A_132 : vector<8x2048xf32>
    %add3A_134 = arith.addf %max3A_126, %log1p3A_133 : vector<8x2048xf32>
    %sub3A_135 = arith.subf %get3A_1, %add3A_134 : vector<8x2048xf32>
    %swap3A = arith.constant 0 : index
    %swap3A_136 = arith.constant 0 : index
    %swap3A_137 = vector.load %arg2[%swap3A, %swap3A_136] : memref<8x2048xf32, #tpu.memory_space<vmem>>, vector<8x2048xf32>
    tpu.vector_store %arg2[%swap3A, %swap3A_136], %sub3A_135 {strides = array<i32>} : memref<8x2048xf32, #tpu.memory_space<vmem>>, vector<8x2048xf32>,
    return
  }
  func.func @transform_0(%arg0: i32) -> (i32, i32) {
    %c0_i32 = arith.constant 0 : i32
    %c0_i32_0 = arith.constant 0 : i32
    return %arg0, %c0_i32 : i32, i32
  }
  func.func @transform_1(%arg0: i32) -> (i32, i32) {
    %c0_i32 = arith.constant 0 : i32
    %c0_i32_0 = arith.constant 0 : i32
    return %arg0, %c0_i32 : i32, i32
  }
}

module attributes {stable_mosaic.version = 14 : i64} {
  func.func @_score_rank_body(%arg0: i32, %arg1: memref<1x2048x128xf32, #tpu.memory_space<vmem>>, %arg2: memref<1x128xf32, #tpu.memory_space<vmem>>, %arg3: memref<128x128xf32, #tpu.memory_space<vmem>>, %arg4: memref<1x1xf32, #tpu.memory_space<smem>>, %arg5: memref<1x1x2048xf32, #tpu.memory_space<vmem>>, %arg6: memref<1x1x2048xi32, #tpu.memory_space<vmem>>, %arg7: memref<2048x128xf32, #tpu.memory_space<vmem>>, %arg8: memref<16x1x128xf32, #tpu.memory_space<vmem>>, %arg9: memref<16x1x128xi32, #tpu.memory_space<vmem>>) attributes {dimension_semantics = [#tpu.dimension_semantics<parallel>], iteration_bounds = array<i64: 64>, scalar_prefetch = 0 : i64, scratch_operands = 3 : i64, tpu.core_type = #tpu.core_type<tc>, window_params = [{transform_indices = @transform_0, window_bounds = array<i64: 1, 2048, 128>}, {pipeline_mode = #tpu.pipeline_mode<synchronous>, transform_indices = @transform_1, window_bounds = array<i64: 1, 128>}, {pipeline_mode = #tpu.pipeline_mode<synchronous>, transform_indices = @transform_2, window_bounds = array<i64: 128, 128>}, {transform_indices = @transform_3, window_bounds = array<i64: 1, 1>}, {transform_indices = @transform_4, window_bounds = array<i64: 1, 1, 2048>}, {transform_indices = @transform_5, window_bounds = array<i64: 1, 1, 2048>}]} {
    %get3A = arith.constant 0 : index
    %get3A_0 = arith.constant 0 : index
    %get3A_1 = arith.constant 0 : index
    %get3A_2 = vector.load %arg1[%get3A, %get3A_0, %get3A_1] : memref<1x2048x128xf32, #tpu.memory_space<vmem>>, vector<1x2048x128xf32>
    %get3A_3 = vector.shape_cast %get3A_2 : vector<1x2048x128xf32> to vector<2048x128xf32>
    %get3A_4 = arith.constant 0 : index
    %get3A_5 = arith.constant 0 : index
    %get3A_6 = vector.load %arg2[%get3A_4, %get3A_5] : memref<1x128xf32, #tpu.memory_space<vmem>>, vector<1x128xf32>
    %get3A_7 = arith.constant 0 : index
    %get3A_8 = arith.constant 0 : index
    %get3A_9 = vector.load %arg3[%get3A_7, %get3A_8] : memref<128x128xf32, #tpu.memory_space<vmem>>, vector<128x128xf32>
    %get3A_10 = arith.constant 0 : index
    %get3A_11 = arith.constant 0 : index
    %get3A_12 = memref.load %arg4[%get3A_10, %get3A_11] : memref<1x1xf32, #tpu.memory_space<smem>>
    %dot_general3A = arith.constant dense<0.000000e+00> : vector<1x2048xf32>
    %dot_general3A_13 = tpu.matmul %get3A_6, %get3A_3, %dot_general3A {dimension_numbers = #tpu.dot_dimension_numbers<[1], [1], [0], [0], [0, 0, 1, 0], [], []>, transpose_lhs_hint = false} : vector<1x128xf32>, vector<2048x128xf32>, vector<1x2048xf32> -> vector<1x2048xf32>
    %add3A = vector.broadcast %get3A_12 : f32 to vector<1x2048xf32>
    %add3A_14 = arith.addf %dot_general3A_13, %add3A : vector<1x2048xf32>
    %dot_general3A_15 = arith.constant dense<0.000000e+00> : vector<2048x128xf32>
    %dot_general3A_16 = tpu.matmul %get3A_3, %get3A_9, %dot_general3A_15 {dimension_numbers = #tpu.dot_dimension_numbers<[1], [0], [0], [1], [0, 0, 1, 1], [], []>, transpose_lhs_hint = false} : vector<2048x128xf32>, vector<128x128xf32>, vector<2048x128xf32> -> vector<2048x128xf32>
    %add3A_17 = vector.broadcast %get3A_12 : f32 to vector<2048x128xf32>
    %add3A_18 = arith.addf %dot_general3A_16, %add3A_17 : vector<2048x128xf32>
    %swap3A = arith.constant 0 : index
    %swap3A_19 = arith.constant 0 : index
    %swap3A_20 = arith.constant 0 : index
    %swap3A_21 = vector.load %arg5[%swap3A, %swap3A_19, %swap3A_20] : memref<1x1x2048xf32, #tpu.memory_space<vmem>>, vector<1x1x2048xf32>
    %swap3A_22 = vector.shape_cast %swap3A_21 : vector<1x1x2048xf32> to vector<1x2048xf32>
    %swap3A_23 = vector.shape_cast %add3A_14 : vector<1x2048xf32> to vector<1x1x2048xf32>
    tpu.vector_store %arg5[%swap3A, %swap3A_19, %swap3A_20], %swap3A_23 {strides = array<i32>} : memref<1x1x2048xf32, #tpu.memory_space<vmem>>, vector<1x1x2048xf32>,
    %swap3A_24 = arith.constant 0 : index
    %swap3A_25 = arith.constant 0 : index
    %swap3A_26 = vector.load %arg7[%swap3A_24, %swap3A_25] : memref<2048x128xf32, #tpu.memory_space<vmem>>, vector<2048x128xf32>
    tpu.vector_store %arg7[%swap3A_24, %swap3A_25], %add3A_18 {strides = array<i32>} : memref<2048x128xf32, #tpu.memory_space<vmem>>, vector<2048x128xf32>,
    %slice3A = vector.extract_strided_slice %add3A_14 {offsets = [0, 0], sizes = [1, 128], strides = [1, 1]} : vector<1x2048xf32> to vector<1x128xf32>
    %swap3A_27 = arith.constant 0 : index
    %swap3A_28 = arith.constant 0 : index
    %swap3A_29 = arith.constant 0 : index
    %swap3A_30 = vector.load %arg8[%swap3A_27, %swap3A_28, %swap3A_29] : memref<16x1x128xf32, #tpu.memory_space<vmem>>, vector<1x1x128xf32>
    %swap3A_31 = vector.shape_cast %swap3A_30 : vector<1x1x128xf32> to vector<1x128xf32>
    %swap3A_32 = vector.shape_cast %slice3A : vector<1x128xf32> to vector<1x1x128xf32>
    tpu.vector_store %arg8[%swap3A_27, %swap3A_28, %swap3A_29], %swap3A_32 {strides = array<i32>} : memref<16x1x128xf32, #tpu.memory_space<vmem>>, vector<1x1x128xf32>,
    %slice3A_33 = vector.extract_strided_slice %add3A_14 {offsets = [0, 128], sizes = [1, 128], strides = [1, 1]} : vector<1x2048xf32> to vector<1x128xf32>
    %swap3A_34 = arith.constant 1 : index
    %swap3A_35 = arith.constant 0 : index
    %swap3A_36 = arith.constant 0 : index
    %swap3A_37 = vector.load %arg8[%swap3A_34, %swap3A_35, %swap3A_36] : memref<16x1x128xf32, #tpu.memory_space<vmem>>, vector<1x1x128xf32>
    %swap3A_38 = vector.shape_cast %swap3A_37 : vector<1x1x128xf32> to vector<1x128xf32>
    %swap3A_39 = vector.shape_cast %slice3A_33 : vector<1x128xf32> to vector<1x1x128xf32>
    tpu.vector_store %arg8[%swap3A_34, %swap3A_35, %swap3A_36], %swap3A_39 {strides = array<i32>} : memref<16x1x128xf32, #tpu.memory_space<vmem>>, vector<1x1x128xf32>,
    %slice3A_40 = vector.extract_strided_slice %add3A_14 {offsets = [0, 256], sizes = [1, 128], strides = [1, 1]} : vector<1x2048xf32> to vector<1x128xf32>
    %swap3A_41 = arith.constant 2 : index
    %swap3A_42 = arith.constant 0 : index
    %swap3A_43 = arith.constant 0 : index
    %swap3A_44 = vector.load %arg8[%swap3A_41, %swap3A_42, %swap3A_43] : memref<16x1x128xf32, #tpu.memory_space<vmem>>, vector<1x1x128xf32>
    %swap3A_45 = vector.shape_cast %swap3A_44 : vector<1x1x128xf32> to vector<1x128xf32>
    %swap3A_46 = vector.shape_cast %slice3A_40 : vector<1x128xf32> to vector<1x1x128xf32>
    tpu.vector_store %arg8[%swap3A_41, %swap3A_42, %swap3A_43], %swap3A_46 {strides = array<i32>} : memref<16x1x128xf32, #tpu.memory_space<vmem>>, vector<1x1x128xf32>,
    %slice3A_47 = vector.extract_strided_slice %add3A_14 {offsets = [0, 384], sizes = [1, 128], strides = [1, 1]} : vector<1x2048xf32> to vector<1x128xf32>
    %swap3A_48 = arith.constant 3 : index
    %swap3A_49 = arith.constant 0 : index
    %swap3A_50 = arith.constant 0 : index
    %swap3A_51 = vector.load %arg8[%swap3A_48, %swap3A_49, %swap3A_50] : memref<16x1x128xf32, #tpu.memory_space<vmem>>, vector<1x1x128xf32>
    %swap3A_52 = vector.shape_cast %swap3A_51 : vector<1x1x128xf32> to vector<1x128xf32>
    %swap3A_53 = vector.shape_cast %slice3A_47 : vector<1x128xf32> to vector<1x1x128xf32>
    tpu.vector_store %arg8[%swap3A_48, %swap3A_49, %swap3A_50], %swap3A_53 {strides = array<i32>} : memref<16x1x128xf32, #tpu.memory_space<vmem>>, vector<1x1x128xf32>,
    %slice3A_54 = vector.extract_strided_slice %add3A_14 {offsets = [0, 512], sizes = [1, 128], strides = [1, 1]} : vector<1x2048xf32> to vector<1x128xf32>
    %swap3A_55 = arith.constant 4 : index
    %swap3A_56 = arith.constant 0 : index
    %swap3A_57 = arith.constant 0 : index
    %swap3A_58 = vector.load %arg8[%swap3A_55, %swap3A_56, %swap3A_57] : memref<16x1x128xf32, #tpu.memory_space<vmem>>, vector<1x1x128xf32>
    %swap3A_59 = vector.shape_cast %swap3A_58 : vector<1x1x128xf32> to vector<1x128xf32>
    %swap3A_60 = vector.shape_cast %slice3A_54 : vector<1x128xf32> to vector<1x1x128xf32>
    tpu.vector_store %arg8[%swap3A_55, %swap3A_56, %swap3A_57], %swap3A_60 {strides = array<i32>} : memref<16x1x128xf32, #tpu.memory_space<vmem>>, vector<1x1x128xf32>,
    %slice3A_61 = vector.extract_strided_slice %add3A_14 {offsets = [0, 640], sizes = [1, 128], strides = [1, 1]} : vector<1x2048xf32> to vector<1x128xf32>
    %swap3A_62 = arith.constant 5 : index
    %swap3A_63 = arith.constant 0 : index
    %swap3A_64 = arith.constant 0 : index
    %swap3A_65 = vector.load %arg8[%swap3A_62, %swap3A_63, %swap3A_64] : memref<16x1x128xf32, #tpu.memory_space<vmem>>, vector<1x1x128xf32>
    %swap3A_66 = vector.shape_cast %swap3A_65 : vector<1x1x128xf32> to vector<1x128xf32>
    %swap3A_67 = vector.shape_cast %slice3A_61 : vector<1x128xf32> to vector<1x1x128xf32>
    tpu.vector_store %arg8[%swap3A_62, %swap3A_63, %swap3A_64], %swap3A_67 {strides = array<i32>} : memref<16x1x128xf32, #tpu.memory_space<vmem>>, vector<1x1x128xf32>,
    %slice3A_68 = vector.extract_strided_slice %add3A_14 {offsets = [0, 768], sizes = [1, 128], strides = [1, 1]} : vector<1x2048xf32> to vector<1x128xf32>
    %swap3A_69 = arith.constant 6 : index
    %swap3A_70 = arith.constant 0 : index
    %swap3A_71 = arith.constant 0 : index
    %swap3A_72 = vector.load %arg8[%swap3A_69, %swap3A_70, %swap3A_71] : memref<16x1x128xf32, #tpu.memory_space<vmem>>, vector<1x1x128xf32>
    %swap3A_73 = vector.shape_cast %swap3A_72 : vector<1x1x128xf32> to vector<1x128xf32>
    %swap3A_74 = vector.shape_cast %slice3A_68 : vector<1x128xf32> to vector<1x1x128xf32>
    tpu.vector_store %arg8[%swap3A_69, %swap3A_70, %swap3A_71], %swap3A_74 {strides = array<i32>} : memref<16x1x128xf32, #tpu.memory_space<vmem>>, vector<1x1x128xf32>,
    %slice3A_75 = vector.extract_strided_slice %add3A_14 {offsets = [0, 896], sizes = [1, 128], strides = [1, 1]} : vector<1x2048xf32> to vector<1x128xf32>
    %swap3A_76 = arith.constant 7 : index
    %swap3A_77 = arith.constant 0 : index
    %swap3A_78 = arith.constant 0 : index
    %swap3A_79 = vector.load %arg8[%swap3A_76, %swap3A_77, %swap3A_78] : memref<16x1x128xf32, #tpu.memory_space<vmem>>, vector<1x1x128xf32>
    %swap3A_80 = vector.shape_cast %swap3A_79 : vector<1x1x128xf32> to vector<1x128xf32>
    %swap3A_81 = vector.shape_cast %slice3A_75 : vector<1x128xf32> to vector<1x1x128xf32>
    tpu.vector_store %arg8[%swap3A_76, %swap3A_77, %swap3A_78], %swap3A_81 {strides = array<i32>} : memref<16x1x128xf32, #tpu.memory_space<vmem>>, vector<1x1x128xf32>,
    %slice3A_82 = vector.extract_strided_slice %add3A_14 {offsets = [0, 1024], sizes = [1, 128], strides = [1, 1]} : vector<1x2048xf32> to vector<1x128xf32>
    %swap3A_83 = arith.constant 8 : index
    %swap3A_84 = arith.constant 0 : index
    %swap3A_85 = arith.constant 0 : index
    %swap3A_86 = vector.load %arg8[%swap3A_83, %swap3A_84, %swap3A_85] : memref<16x1x128xf32, #tpu.memory_space<vmem>>, vector<1x1x128xf32>
    %swap3A_87 = vector.shape_cast %swap3A_86 : vector<1x1x128xf32> to vector<1x128xf32>
    %swap3A_88 = vector.shape_cast %slice3A_82 : vector<1x128xf32> to vector<1x1x128xf32>
    tpu.vector_store %arg8[%swap3A_83, %swap3A_84, %swap3A_85], %swap3A_88 {strides = array<i32>} : memref<16x1x128xf32, #tpu.memory_space<vmem>>, vector<1x1x128xf32>,
    %slice3A_89 = vector.extract_strided_slice %add3A_14 {offsets = [0, 1152], sizes = [1, 128], strides = [1, 1]} : vector<1x2048xf32> to vector<1x128xf32>
    %swap3A_90 = arith.constant 9 : index
    %swap3A_91 = arith.constant 0 : index
    %swap3A_92 = arith.constant 0 : index
    %swap3A_93 = vector.load %arg8[%swap3A_90, %swap3A_91, %swap3A_92] : memref<16x1x128xf32, #tpu.memory_space<vmem>>, vector<1x1x128xf32>
    %swap3A_94 = vector.shape_cast %swap3A_93 : vector<1x1x128xf32> to vector<1x128xf32>
    %swap3A_95 = vector.shape_cast %slice3A_89 : vector<1x128xf32> to vector<1x1x128xf32>
    tpu.vector_store %arg8[%swap3A_90, %swap3A_91, %swap3A_92], %swap3A_95 {strides = array<i32>} : memref<16x1x128xf32, #tpu.memory_space<vmem>>, vector<1x1x128xf32>,
    %slice3A_96 = vector.extract_strided_slice %add3A_14 {offsets = [0, 1280], sizes = [1, 128], strides = [1, 1]} : vector<1x2048xf32> to vector<1x128xf32>
    %swap3A_97 = arith.constant 10 : index
    %swap3A_98 = arith.constant 0 : index
    %swap3A_99 = arith.constant 0 : index
    %swap3A_100 = vector.load %arg8[%swap3A_97, %swap3A_98, %swap3A_99] : memref<16x1x128xf32, #tpu.memory_space<vmem>>, vector<1x1x128xf32>
    %swap3A_101 = vector.shape_cast %swap3A_100 : vector<1x1x128xf32> to vector<1x128xf32>
    %swap3A_102 = vector.shape_cast %slice3A_96 : vector<1x128xf32> to vector<1x1x128xf32>
    tpu.vector_store %arg8[%swap3A_97, %swap3A_98, %swap3A_99], %swap3A_102 {strides = array<i32>} : memref<16x1x128xf32, #tpu.memory_space<vmem>>, vector<1x1x128xf32>,
    %slice3A_103 = vector.extract_strided_slice %add3A_14 {offsets = [0, 1408], sizes = [1, 128], strides = [1, 1]} : vector<1x2048xf32> to vector<1x128xf32>
    %swap3A_104 = arith.constant 11 : index
    %swap3A_105 = arith.constant 0 : index
    %swap3A_106 = arith.constant 0 : index
    %swap3A_107 = vector.load %arg8[%swap3A_104, %swap3A_105, %swap3A_106] : memref<16x1x128xf32, #tpu.memory_space<vmem>>, vector<1x1x128xf32>
    %swap3A_108 = vector.shape_cast %swap3A_107 : vector<1x1x128xf32> to vector<1x128xf32>
    %swap3A_109 = vector.shape_cast %slice3A_103 : vector<1x128xf32> to vector<1x1x128xf32>
    tpu.vector_store %arg8[%swap3A_104, %swap3A_105, %swap3A_106], %swap3A_109 {strides = array<i32>} : memref<16x1x128xf32, #tpu.memory_space<vmem>>, vector<1x1x128xf32>,
    %slice3A_110 = vector.extract_strided_slice %add3A_14 {offsets = [0, 1536], sizes = [1, 128], strides = [1, 1]} : vector<1x2048xf32> to vector<1x128xf32>
    %swap3A_111 = arith.constant 12 : index
    %swap3A_112 = arith.constant 0 : index
    %swap3A_113 = arith.constant 0 : index
    %swap3A_114 = vector.load %arg8[%swap3A_111, %swap3A_112, %swap3A_113] : memref<16x1x128xf32, #tpu.memory_space<vmem>>, vector<1x1x128xf32>
    %swap3A_115 = vector.shape_cast %swap3A_114 : vector<1x1x128xf32> to vector<1x128xf32>
    %swap3A_116 = vector.shape_cast %slice3A_110 : vector<1x128xf32> to vector<1x1x128xf32>
    tpu.vector_store %arg8[%swap3A_111, %swap3A_112, %swap3A_113], %swap3A_116 {strides = array<i32>} : memref<16x1x128xf32, #tpu.memory_space<vmem>>, vector<1x1x128xf32>,
    %slice3A_117 = vector.extract_strided_slice %add3A_14 {offsets = [0, 1664], sizes = [1, 128], strides = [1, 1]} : vector<1x2048xf32> to vector<1x128xf32>
    %swap3A_118 = arith.constant 13 : index
    %swap3A_119 = arith.constant 0 : index
    %swap3A_120 = arith.constant 0 : index
    %swap3A_121 = vector.load %arg8[%swap3A_118, %swap3A_119, %swap3A_120] : memref<16x1x128xf32, #tpu.memory_space<vmem>>, vector<1x1x128xf32>
    %swap3A_122 = vector.shape_cast %swap3A_121 : vector<1x1x128xf32> to vector<1x128xf32>
    %swap3A_123 = vector.shape_cast %slice3A_117 : vector<1x128xf32> to vector<1x1x128xf32>
    tpu.vector_store %arg8[%swap3A_118, %swap3A_119, %swap3A_120], %swap3A_123 {strides = array<i32>} : memref<16x1x128xf32, #tpu.memory_space<vmem>>, vector<1x1x128xf32>,
    %slice3A_124 = vector.extract_strided_slice %add3A_14 {offsets = [0, 1792], sizes = [1, 128], strides = [1, 1]} : vector<1x2048xf32> to vector<1x128xf32>
    %swap3A_125 = arith.constant 14 : index
    %swap3A_126 = arith.constant 0 : index
    %swap3A_127 = arith.constant 0 : index
    %swap3A_128 = vector.load %arg8[%swap3A_125, %swap3A_126, %swap3A_127] : memref<16x1x128xf32, #tpu.memory_space<vmem>>, vector<1x1x128xf32>
    %swap3A_129 = vector.shape_cast %swap3A_128 : vector<1x1x128xf32> to vector<1x128xf32>
    %swap3A_130 = vector.shape_cast %slice3A_124 : vector<1x128xf32> to vector<1x1x128xf32>
    tpu.vector_store %arg8[%swap3A_125, %swap3A_126, %swap3A_127], %swap3A_130 {strides = array<i32>} : memref<16x1x128xf32, #tpu.memory_space<vmem>>, vector<1x1x128xf32>,
    %slice3A_131 = vector.extract_strided_slice %add3A_14 {offsets = [0, 1920], sizes = [1, 128], strides = [1, 1]} : vector<1x2048xf32> to vector<1x128xf32>
    %swap3A_132 = arith.constant 15 : index
    %swap3A_133 = arith.constant 0 : index
    %swap3A_134 = arith.constant 0 : index
    %swap3A_135 = vector.load %arg8[%swap3A_132, %swap3A_133, %swap3A_134] : memref<16x1x128xf32, #tpu.memory_space<vmem>>, vector<1x1x128xf32>
    %swap3A_136 = vector.shape_cast %swap3A_135 : vector<1x1x128xf32> to vector<1x128xf32>
    %swap3A_137 = vector.shape_cast %slice3A_131 : vector<1x128xf32> to vector<1x1x128xf32>
    tpu.vector_store %arg8[%swap3A_132, %swap3A_133, %swap3A_134], %swap3A_137 {strides = array<i32>} : memref<16x1x128xf32, #tpu.memory_space<vmem>>, vector<1x1x128xf32>,
    %scan3A = arith.constant 0 : i32
    %scan3A_138 = arith.constant 16 : i32
    %scan3A_139 = arith.addi %scan3A, %scan3A_138 : i32
    %scan3A_140 = arith.constant 1 : i32
    scf.for %scan3A_228 = %scan3A to %scan3A_139 step %scan3A_140  : i32 {
      %get3A_229 = arith.index_cast %scan3A_228 : i32 to index
      %get3A_230 = arith.constant 0 : index
      %get3A_231 = arith.constant 0 : index
      %get3A_232 = vector.load %arg8[%get3A_229, %get3A_230, %get3A_231] : memref<16x1x128xf32, #tpu.memory_space<vmem>>, vector<1x1x128xf32>
      %get3A_233 = vector.shape_cast %get3A_232 : vector<1x1x128xf32> to vector<1x128xf32>
      %broadcast_in_dim3A = arith.constant 0 : i32
      %broadcast_in_dim3A_234 = vector.broadcast %broadcast_in_dim3A : i32 to vector<16x128xi32>
      %broadcast_in_dim3A_235 = arith.constant 0 : i32
      %broadcast_in_dim3A_236 = vector.broadcast %broadcast_in_dim3A_235 : i32 to vector<16x128xi32>
      %broadcast_in_dim3A_237 = arith.constant 0 : i32
      %broadcast_in_dim3A_238 = vector.broadcast %broadcast_in_dim3A_237 : i32 to vector<16x128xi32>
      %broadcast_in_dim3A_239 = arith.constant 0 : i32
      %broadcast_in_dim3A_240 = vector.broadcast %broadcast_in_dim3A_239 : i32 to vector<16x128xi32>
      %get3A_241 = arith.constant 0 : index
      %get3A_242 = arith.constant 0 : index
      %get3A_243 = vector.load %arg7[%get3A_241, %get3A_242] : memref<2048x128xf32, #tpu.memory_space<vmem>>, vector<16x128xf32>
      %gt3A = vector.broadcast %get3A_233 : vector<1x128xf32> to vector<16x128xf32>
      %gt3A_244 = arith.cmpf ogt, %get3A_243, %gt3A : vector<16x128xf32>
      %convert_element_type3A = arith.extui %gt3A_244 : vector<16x128xi1> to vector<16x128xi32>
      %add3A_245 = arith.addi %broadcast_in_dim3A_234, %convert_element_type3A : vector<16x128xi32>
      %get3A_246 = arith.constant 16 : index
      %get3A_247 = arith.constant 0 : index
      %get3A_248 = vector.load %arg7[%get3A_246, %get3A_247] : memref<2048x128xf32, #tpu.memory_space<vmem>>, vector<16x128xf32>
      %gt3A_249 = vector.broadcast %get3A_233 : vector<1x128xf32> to vector<16x128xf32>
      %gt3A_250 = arith.cmpf ogt, %get3A_248, %gt3A_249 : vector<16x128xf32>
      %convert_element_type3A_251 = arith.extui %gt3A_250 : vector<16x128xi1> to vector<16x128xi32>
      %add3A_252 = arith.addi %broadcast_in_dim3A_236, %convert_element_type3A_251 : vector<16x128xi32>
      %get3A_253 = arith.constant 32 : index
      %get3A_254 = arith.constant 0 : index
      %get3A_255 = vector.load %arg7[%get3A_253, %get3A_254] : memref<2048x128xf32, #tpu.memory_space<vmem>>, vector<16x128xf32>
      %gt3A_256 = vector.broadcast %get3A_233 : vector<1x128xf32> to vector<16x128xf32>
      %gt3A_257 = arith.cmpf ogt, %get3A_255, %gt3A_256 : vector<16x128xf32>
      %convert_element_type3A_258 = arith.extui %gt3A_257 : vector<16x128xi1> to vector<16x128xi32>
      %add3A_259 = arith.addi %broadcast_in_dim3A_238, %convert_element_type3A_258 : vector<16x128xi32>
      %get3A_260 = arith.constant 48 : index
      %get3A_261 = arith.constant 0 : index
      %get3A_262 = vector.load %arg7[%get3A_260, %get3A_261] : memref<2048x128xf32, #tpu.memory_space<vmem>>, vector<16x128xf32>
      %gt3A_263 = vector.broadcast %get3A_233 : vector<1x128xf32> to vector<16x128xf32>
      %gt3A_264 = arith.cmpf ogt, %get3A_262, %gt3A_263 : vector<16x128xf32>
      %convert_element_type3A_265 = arith.extui %gt3A_264 : vector<16x128xi1> to vector<16x128xi32>
      %add3A_266 = arith.addi %broadcast_in_dim3A_240, %convert_element_type3A_265 : vector<16x128xi32>
      %get3A_267 = arith.constant 64 : index
      %get3A_268 = arith.constant 0 : index
      %get3A_269 = vector.load %arg7[%get3A_267, %get3A_268] : memref<2048x128xf32, #tpu.memory_space<vmem>>, vector<16x128xf32>
      %gt3A_270 = vector.broadcast %get3A_233 : vector<1x128xf32> to vector<16x128xf32>
      %gt3A_271 = arith.cmpf ogt, %get3A_269, %gt3A_270 : vector<16x128xf32>
      %convert_element_type3A_272 = arith.extui %gt3A_271 : vector<16x128xi1> to vector<16x128xi32>
      %add3A_273 = arith.addi %add3A_245, %convert_element_type3A_272 : vector<16x128xi32>
      %get3A_274 = arith.constant 80 : index
      %get3A_275 = arith.constant 0 : index
      %get3A_276 = vector.load %arg7[%get3A_274, %get3A_275] : memref<2048x128xf32, #tpu.memory_space<vmem>>, vector<16x128xf32>
      %gt3A_277 = vector.broadcast %get3A_233 : vector<1x128xf32> to vector<16x128xf32>
      %gt3A_278 = arith.cmpf ogt, %get3A_276, %gt3A_277 : vector<16x128xf32>
      %convert_element_type3A_279 = arith.extui %gt3A_278 : vector<16x128xi1> to vector<16x128xi32>
      %add3A_280 = arith.addi %add3A_252, %convert_element_type3A_279 : vector<16x128xi32>
      %get3A_281 = arith.constant 96 : index
      %get3A_282 = arith.constant 0 : index
      %get3A_283 = vector.load %arg7[%get3A_281, %get3A_282] : memref<2048x128xf32, #tpu.memory_space<vmem>>, vector<16x128xf32>
      %gt3A_284 = vector.broadcast %get3A_233 : vector<1x128xf32> to vector<16x128xf32>
      %gt3A_285 = arith.cmpf ogt, %get3A_283, %gt3A_284 : vector<16x128xf32>
      %convert_element_type3A_286 = arith.extui %gt3A_285 : vector<16x128xi1> to vector<16x128xi32>
      %add3A_287 = arith.addi %add3A_259, %convert_element_type3A_286 : vector<16x128xi32>
      %get3A_288 = arith.constant 112 : index
      %get3A_289 = arith.constant 0 : index
      %get3A_290 = vector.load %arg7[%get3A_288, %get3A_289] : memref<2048x128xf32, #tpu.memory_space<vmem>>, vector<16x128xf32>
      %gt3A_291 = vector.broadcast %get3A_233 : vector<1x128xf32> to vector<16x128xf32>
      %gt3A_292 = arith.cmpf ogt, %get3A_290, %gt3A_291 : vector<16x128xf32>
      %convert_element_type3A_293 = arith.extui %gt3A_292 : vector<16x128xi1> to vector<16x128xi32>
      %add3A_294 = arith.addi %add3A_266, %convert_element_type3A_293 : vector<16x128xi32>
      %get3A_295 = arith.constant 128 : index
      %get3A_296 = arith.constant 0 : index
      %get3A_297 = vector.load %arg7[%get3A_295, %get3A_296] : memref<2048x128xf32, #tpu.memory_space<vmem>>, vector<16x128xf32>
      %gt3A_298 = vector.broadcast %get3A_233 : vector<1x128xf32> to vector<16x128xf32>
      %gt3A_299 = arith.cmpf ogt, %get3A_297, %gt3A_298 : vector<16x128xf32>
      %convert_element_type3A_300 = arith.extui %gt3A_299 : vector<16x128xi1> to vector<16x128xi32>
      %add3A_301 = arith.addi %add3A_273, %convert_element_type3A_300 : vector<16x128xi32>
      %get3A_302 = arith.constant 144 : index
      %get3A_303 = arith.constant 0 : index
      %get3A_304 = vector.load %arg7[%get3A_302, %get3A_303] : memref<2048x128xf32, #tpu.memory_space<vmem>>, vector<16x128xf32>
      %gt3A_305 = vector.broadcast %get3A_233 : vector<1x128xf32> to vector<16x128xf32>
      %gt3A_306 = arith.cmpf ogt, %get3A_304, %gt3A_305 : vector<16x128xf32>
      %convert_element_type3A_307 = arith.extui %gt3A_306 : vector<16x128xi1> to vector<16x128xi32>
      %add3A_308 = arith.addi %add3A_280, %convert_element_type3A_307 : vector<16x128xi32>
      %get3A_309 = arith.constant 160 : index
      %get3A_310 = arith.constant 0 : index
      %get3A_311 = vector.load %arg7[%get3A_309, %get3A_310] : memref<2048x128xf32, #tpu.memory_space<vmem>>, vector<16x128xf32>
      %gt3A_312 = vector.broadcast %get3A_233 : vector<1x128xf32> to vector<16x128xf32>
      %gt3A_313 = arith.cmpf ogt, %get3A_311, %gt3A_312 : vector<16x128xf32>
      %convert_element_type3A_314 = arith.extui %gt3A_313 : vector<16x128xi1> to vector<16x128xi32>
      %add3A_315 = arith.addi %add3A_287, %convert_element_type3A_314 : vector<16x128xi32>
      %get3A_316 = arith.constant 176 : index
      %get3A_317 = arith.constant 0 : index
      %get3A_318 = vector.load %arg7[%get3A_316, %get3A_317] : memref<2048x128xf32, #tpu.memory_space<vmem>>, vector<16x128xf32>
      %gt3A_319 = vector.broadcast %get3A_233 : vector<1x128xf32> to vector<16x128xf32>
      %gt3A_320 = arith.cmpf ogt, %get3A_318, %gt3A_319 : vector<16x128xf32>
      %convert_element_type3A_321 = arith.extui %gt3A_320 : vector<16x128xi1> to vector<16x128xi32>
      %add3A_322 = arith.addi %add3A_294, %convert_element_type3A_321 : vector<16x128xi32>
      %get3A_323 = arith.constant 192 : index
      %get3A_324 = arith.constant 0 : index
      %get3A_325 = vector.load %arg7[%get3A_323, %get3A_324] : memref<2048x128xf32, #tpu.memory_space<vmem>>, vector<16x128xf32>
      %gt3A_326 = vector.broadcast %get3A_233 : vector<1x128xf32> to vector<16x128xf32>
      %gt3A_327 = arith.cmpf ogt, %get3A_325, %gt3A_326 : vector<16x128xf32>
      %convert_element_type3A_328 = arith.extui %gt3A_327 : vector<16x128xi1> to vector<16x128xi32>
      %add3A_329 = arith.addi %add3A_301, %convert_element_type3A_328 : vector<16x128xi32>
      %get3A_330 = arith.constant 208 : index
      %get3A_331 = arith.constant 0 : index
      %get3A_332 = vector.load %arg7[%get3A_330, %get3A_331] : memref<2048x128xf32, #tpu.memory_space<vmem>>, vector<16x128xf32>
      %gt3A_333 = vector.broadcast %get3A_233 : vector<1x128xf32> to vector<16x128xf32>
      %gt3A_334 = arith.cmpf ogt, %get3A_332, %gt3A_333 : vector<16x128xf32>
      %convert_element_type3A_335 = arith.extui %gt3A_334 : vector<16x128xi1> to vector<16x128xi32>
      %add3A_336 = arith.addi %add3A_308, %convert_element_type3A_335 : vector<16x128xi32>
      %get3A_337 = arith.constant 224 : index
      %get3A_338 = arith.constant 0 : index
      %get3A_339 = vector.load %arg7[%get3A_337, %get3A_338] : memref<2048x128xf32, #tpu.memory_space<vmem>>, vector<16x128xf32>
      %gt3A_340 = vector.broadcast %get3A_233 : vector<1x128xf32> to vector<16x128xf32>
      %gt3A_341 = arith.cmpf ogt, %get3A_339, %gt3A_340 : vector<16x128xf32>
      %convert_element_type3A_342 = arith.extui %gt3A_341 : vector<16x128xi1> to vector<16x128xi32>
      %add3A_343 = arith.addi %add3A_315, %convert_element_type3A_342 : vector<16x128xi32>
      %get3A_344 = arith.constant 240 : index
      %get3A_345 = arith.constant 0 : index
      %get3A_346 = vector.load %arg7[%get3A_344, %get3A_345] : memref<2048x128xf32, #tpu.memory_space<vmem>>, vector<16x128xf32>
      %gt3A_347 = vector.broadcast %get3A_233 : vector<1x128xf32> to vector<16x128xf32>
      %gt3A_348 = arith.cmpf ogt, %get3A_346, %gt3A_347 : vector<16x128xf32>
      %convert_element_type3A_349 = arith.extui %gt3A_348 : vector<16x128xi1> to vector<16x128xi32>
      %add3A_350 = arith.addi %add3A_322, %convert_element_type3A_349 : vector<16x128xi32>
      %get3A_351 = arith.constant 256 : index
      %get3A_352 = arith.constant 0 : index
      %get3A_353 = vector.load %arg7[%get3A_351, %get3A_352] : memref<2048x128xf32, #tpu.memory_space<vmem>>, vector<16x128xf32>
      %gt3A_354 = vector.broadcast %get3A_233 : vector<1x128xf32> to vector<16x128xf32>
      %gt3A_355 = arith.cmpf ogt, %get3A_353, %gt3A_354 : vector<16x128xf32>
      %convert_element_type3A_356 = arith.extui %gt3A_355 : vector<16x128xi1> to vector<16x128xi32>
      %add3A_357 = arith.addi %add3A_329, %convert_element_type3A_356 : vector<16x128xi32>
      %get3A_358 = arith.constant 272 : index
      %get3A_359 = arith.constant 0 : index
      %get3A_360 = vector.load %arg7[%get3A_358, %get3A_359] : memref<2048x128xf32, #tpu.memory_space<vmem>>, vector<16x128xf32>
      %gt3A_361 = vector.broadcast %get3A_233 : vector<1x128xf32> to vector<16x128xf32>
      %gt3A_362 = arith.cmpf ogt, %get3A_360, %gt3A_361 : vector<16x128xf32>
      %convert_element_type3A_363 = arith.extui %gt3A_362 : vector<16x128xi1> to vector<16x128xi32>
      %add3A_364 = arith.addi %add3A_336, %convert_element_type3A_363 : vector<16x128xi32>
      %get3A_365 = arith.constant 288 : index
      %get3A_366 = arith.constant 0 : index
      %get3A_367 = vector.load %arg7[%get3A_365, %get3A_366] : memref<2048x128xf32, #tpu.memory_space<vmem>>, vector<16x128xf32>
      %gt3A_368 = vector.broadcast %get3A_233 : vector<1x128xf32> to vector<16x128xf32>
      %gt3A_369 = arith.cmpf ogt, %get3A_367, %gt3A_368 : vector<16x128xf32>
      %convert_element_type3A_370 = arith.extui %gt3A_369 : vector<16x128xi1> to vector<16x128xi32>
      %add3A_371 = arith.addi %add3A_343, %convert_element_type3A_370 : vector<16x128xi32>
      %get3A_372 = arith.constant 304 : index
      %get3A_373 = arith.constant 0 : index
      %get3A_374 = vector.load %arg7[%get3A_372, %get3A_373] : memref<2048x128xf32, #tpu.memory_space<vmem>>, vector<16x128xf32>
      %gt3A_375 = vector.broadcast %get3A_233 : vector<1x128xf32> to vector<16x128xf32>
      %gt3A_376 = arith.cmpf ogt, %get3A_374, %gt3A_375 : vector<16x128xf32>
      %convert_element_type3A_377 = arith.extui %gt3A_376 : vector<16x128xi1> to vector<16x128xi32>
      %add3A_378 = arith.addi %add3A_350, %convert_element_type3A_377 : vector<16x128xi32>
      %get3A_379 = arith.constant 320 : index
      %get3A_380 = arith.constant 0 : index
      %get3A_381 = vector.load %arg7[%get3A_379, %get3A_380] : memref<2048x128xf32, #tpu.memory_space<vmem>>, vector<16x128xf32>
      %gt3A_382 = vector.broadcast %get3A_233 : vector<1x128xf32> to vector<16x128xf32>
      %gt3A_383 = arith.cmpf ogt, %get3A_381, %gt3A_382 : vector<16x128xf32>
      %convert_element_type3A_384 = arith.extui %gt3A_383 : vector<16x128xi1> to vector<16x128xi32>
      %add3A_385 = arith.addi %add3A_357, %convert_element_type3A_384 : vector<16x128xi32>
      %get3A_386 = arith.constant 336 : index
      %get3A_387 = arith.constant 0 : index
      %get3A_388 = vector.load %arg7[%get3A_386, %get3A_387] : memref<2048x128xf32, #tpu.memory_space<vmem>>, vector<16x128xf32>
      %gt3A_389 = vector.broadcast %get3A_233 : vector<1x128xf32> to vector<16x128xf32>
      %gt3A_390 = arith.cmpf ogt, %get3A_388, %gt3A_389 : vector<16x128xf32>
      %convert_element_type3A_391 = arith.extui %gt3A_390 : vector<16x128xi1> to vector<16x128xi32>
      %add3A_392 = arith.addi %add3A_364, %convert_element_type3A_391 : vector<16x128xi32>
      %get3A_393 = arith.constant 352 : index
      %get3A_394 = arith.constant 0 : index
      %get3A_395 = vector.load %arg7[%get3A_393, %get3A_394] : memref<2048x128xf32, #tpu.memory_space<vmem>>, vector<16x128xf32>
      %gt3A_396 = vector.broadcast %get3A_233 : vector<1x128xf32> to vector<16x128xf32>
      %gt3A_397 = arith.cmpf ogt, %get3A_395, %gt3A_396 : vector<16x128xf32>
      %convert_element_type3A_398 = arith.extui %gt3A_397 : vector<16x128xi1> to vector<16x128xi32>
      %add3A_399 = arith.addi %add3A_371, %convert_element_type3A_398 : vector<16x128xi32>
      %get3A_400 = arith.constant 368 : index
      %get3A_401 = arith.constant 0 : index
      %get3A_402 = vector.load %arg7[%get3A_400, %get3A_401] : memref<2048x128xf32, #tpu.memory_space<vmem>>, vector<16x128xf32>
      %gt3A_403 = vector.broadcast %get3A_233 : vector<1x128xf32> to vector<16x128xf32>
      %gt3A_404 = arith.cmpf ogt, %get3A_402, %gt3A_403 : vector<16x128xf32>
      %convert_element_type3A_405 = arith.extui %gt3A_404 : vector<16x128xi1> to vector<16x128xi32>
      %add3A_406 = arith.addi %add3A_378, %convert_element_type3A_405 : vector<16x128xi32>
      %get3A_407 = arith.constant 384 : index
      %get3A_408 = arith.constant 0 : index
      %get3A_409 = vector.load %arg7[%get3A_407, %get3A_408] : memref<2048x128xf32, #tpu.memory_space<vmem>>, vector<16x128xf32>
      %gt3A_410 = vector.broadcast %get3A_233 : vector<1x128xf32> to vector<16x128xf32>
      %gt3A_411 = arith.cmpf ogt, %get3A_409, %gt3A_410 : vector<16x128xf32>
      %convert_element_type3A_412 = arith.extui %gt3A_411 : vector<16x128xi1> to vector<16x128xi32>
      %add3A_413 = arith.addi %add3A_385, %convert_element_type3A_412 : vector<16x128xi32>
      %get3A_414 = arith.constant 400 : index
      %get3A_415 = arith.constant 0 : index
      %get3A_416 = vector.load %arg7[%get3A_414, %get3A_415] : memref<2048x128xf32, #tpu.memory_space<vmem>>, vector<16x128xf32>
      %gt3A_417 = vector.broadcast %get3A_233 : vector<1x128xf32> to vector<16x128xf32>
      %gt3A_418 = arith.cmpf ogt, %get3A_416, %gt3A_417 : vector<16x128xf32>
      %convert_element_type3A_419 = arith.extui %gt3A_418 : vector<16x128xi1> to vector<16x128xi32>
      %add3A_420 = arith.addi %add3A_392, %convert_element_type3A_419 : vector<16x128xi32>
      %get3A_421 = arith.constant 416 : index
      %get3A_422 = arith.constant 0 : index
      %get3A_423 = vector.load %arg7[%get3A_421, %get3A_422] : memref<2048x128xf32, #tpu.memory_space<vmem>>, vector<16x128xf32>
      %gt3A_424 = vector.broadcast %get3A_233 : vector<1x128xf32> to vector<16x128xf32>
      %gt3A_425 = arith.cmpf ogt, %get3A_423, %gt3A_424 : vector<16x128xf32>
      %convert_element_type3A_426 = arith.extui %gt3A_425 : vector<16x128xi1> to vector<16x128xi32>
      %add3A_427 = arith.addi %add3A_399, %convert_element_type3A_426 : vector<16x128xi32>
      %get3A_428 = arith.constant 432 : index
      %get3A_429 = arith.constant 0 : index
      %get3A_430 = vector.load %arg7[%get3A_428, %get3A_429] : memref<2048x128xf32, #tpu.memory_space<vmem>>, vector<16x128xf32>
      %gt3A_431 = vector.broadcast %get3A_233 : vector<1x128xf32> to vector<16x128xf32>
      %gt3A_432 = arith.cmpf ogt, %get3A_430, %gt3A_431 : vector<16x128xf32>
      %convert_element_type3A_433 = arith.extui %gt3A_432 : vector<16x128xi1> to vector<16x128xi32>
      %add3A_434 = arith.addi %add3A_406, %convert_element_type3A_433 : vector<16x128xi32>
      %get3A_435 = arith.constant 448 : index
      %get3A_436 = arith.constant 0 : index
      %get3A_437 = vector.load %arg7[%get3A_435, %get3A_436] : memref<2048x128xf32, #tpu.memory_space<vmem>>, vector<16x128xf32>
      %gt3A_438 = vector.broadcast %get3A_233 : vector<1x128xf32> to vector<16x128xf32>
      %gt3A_439 = arith.cmpf ogt, %get3A_437, %gt3A_438 : vector<16x128xf32>
      %convert_element_type3A_440 = arith.extui %gt3A_439 : vector<16x128xi1> to vector<16x128xi32>
      %add3A_441 = arith.addi %add3A_413, %convert_element_type3A_440 : vector<16x128xi32>
      %get3A_442 = arith.constant 464 : index
      %get3A_443 = arith.constant 0 : index
      %get3A_444 = vector.load %arg7[%get3A_442, %get3A_443] : memref<2048x128xf32, #tpu.memory_space<vmem>>, vector<16x128xf32>
      %gt3A_445 = vector.broadcast %get3A_233 : vector<1x128xf32> to vector<16x128xf32>
      %gt3A_446 = arith.cmpf ogt, %get3A_444, %gt3A_445 : vector<16x128xf32>
      %convert_element_type3A_447 = arith.extui %gt3A_446 : vector<16x128xi1> to vector<16x128xi32>
      %add3A_448 = arith.addi %add3A_420, %convert_element_type3A_447 : vector<16x128xi32>
      %get3A_449 = arith.constant 480 : index
      %get3A_450 = arith.constant 0 : index
      %get3A_451 = vector.load %arg7[%get3A_449, %get3A_450] : memref<2048x128xf32, #tpu.memory_space<vmem>>, vector<16x128xf32>
      %gt3A_452 = vector.broadcast %get3A_233 : vector<1x128xf32> to vector<16x128xf32>
      %gt3A_453 = arith.cmpf ogt, %get3A_451, %gt3A_452 : vector<16x128xf32>
      %convert_element_type3A_454 = arith.extui %gt3A_453 : vector<16x128xi1> to vector<16x128xi32>
      %add3A_455 = arith.addi %add3A_427, %convert_element_type3A_454 : vector<16x128xi32>
      %get3A_456 = arith.constant 496 : index
      %get3A_457 = arith.constant 0 : index
      %get3A_458 = vector.load %arg7[%get3A_456, %get3A_457] : memref<2048x128xf32, #tpu.memory_space<vmem>>, vector<16x128xf32>
      %gt3A_459 = vector.broadcast %get3A_233 : vector<1x128xf32> to vector<16x128xf32>
      %gt3A_460 = arith.cmpf ogt, %get3A_458, %gt3A_459 : vector<16x128xf32>
      %convert_element_type3A_461 = arith.extui %gt3A_460 : vector<16x128xi1> to vector<16x128xi32>
      %add3A_462 = arith.addi %add3A_434, %convert_element_type3A_461 : vector<16x128xi32>
      %get3A_463 = arith.constant 512 : index
      %get3A_464 = arith.constant 0 : index
      %get3A_465 = vector.load %arg7[%get3A_463, %get3A_464] : memref<2048x128xf32, #tpu.memory_space<vmem>>, vector<16x128xf32>
      %gt3A_466 = vector.broadcast %get3A_233 : vector<1x128xf32> to vector<16x128xf32>
      %gt3A_467 = arith.cmpf ogt, %get3A_465, %gt3A_466 : vector<16x128xf32>
      %convert_element_type3A_468 = arith.extui %gt3A_467 : vector<16x128xi1> to vector<16x128xi32>
      %add3A_469 = arith.addi %add3A_441, %convert_element_type3A_468 : vector<16x128xi32>
      %get3A_470 = arith.constant 528 : index
      %get3A_471 = arith.constant 0 : index
      %get3A_472 = vector.load %arg7[%get3A_470, %get3A_471] : memref<2048x128xf32, #tpu.memory_space<vmem>>, vector<16x128xf32>
      %gt3A_473 = vector.broadcast %get3A_233 : vector<1x128xf32> to vector<16x128xf32>
      %gt3A_474 = arith.cmpf ogt, %get3A_472, %gt3A_473 : vector<16x128xf32>
      %convert_element_type3A_475 = arith.extui %gt3A_474 : vector<16x128xi1> to vector<16x128xi32>
      %add3A_476 = arith.addi %add3A_448, %convert_element_type3A_475 : vector<16x128xi32>
      %get3A_477 = arith.constant 544 : index
      %get3A_478 = arith.constant 0 : index
      %get3A_479 = vector.load %arg7[%get3A_477, %get3A_478] : memref<2048x128xf32, #tpu.memory_space<vmem>>, vector<16x128xf32>
      %gt3A_480 = vector.broadcast %get3A_233 : vector<1x128xf32> to vector<16x128xf32>
      %gt3A_481 = arith.cmpf ogt, %get3A_479, %gt3A_480 : vector<16x128xf32>
      %convert_element_type3A_482 = arith.extui %gt3A_481 : vector<16x128xi1> to vector<16x128xi32>
      %add3A_483 = arith.addi %add3A_455, %convert_element_type3A_482 : vector<16x128xi32>
      %get3A_484 = arith.constant 560 : index
      %get3A_485 = arith.constant 0 : index
      %get3A_486 = vector.load %arg7[%get3A_484, %get3A_485] : memref<2048x128xf32, #tpu.memory_space<vmem>>, vector<16x128xf32>
      %gt3A_487 = vector.broadcast %get3A_233 : vector<1x128xf32> to vector<16x128xf32>
      %gt3A_488 = arith.cmpf ogt, %get3A_486, %gt3A_487 : vector<16x128xf32>
      %convert_element_type3A_489 = arith.extui %gt3A_488 : vector<16x128xi1> to vector<16x128xi32>
      %add3A_490 = arith.addi %add3A_462, %convert_element_type3A_489 : vector<16x128xi32>
      %get3A_491 = arith.constant 576 : index
      %get3A_492 = arith.constant 0 : index
      %get3A_493 = vector.load %arg7[%get3A_491, %get3A_492] : memref<2048x128xf32, #tpu.memory_space<vmem>>, vector<16x128xf32>
      %gt3A_494 = vector.broadcast %get3A_233 : vector<1x128xf32> to vector<16x128xf32>
      %gt3A_495 = arith.cmpf ogt, %get3A_493, %gt3A_494 : vector<16x128xf32>
      %convert_element_type3A_496 = arith.extui %gt3A_495 : vector<16x128xi1> to vector<16x128xi32>
      %add3A_497 = arith.addi %add3A_469, %convert_element_type3A_496 : vector<16x128xi32>
      %get3A_498 = arith.constant 592 : index
      %get3A_499 = arith.constant 0 : index
      %get3A_500 = vector.load %arg7[%get3A_498, %get3A_499] : memref<2048x128xf32, #tpu.memory_space<vmem>>, vector<16x128xf32>
      %gt3A_501 = vector.broadcast %get3A_233 : vector<1x128xf32> to vector<16x128xf32>
      %gt3A_502 = arith.cmpf ogt, %get3A_500, %gt3A_501 : vector<16x128xf32>
      %convert_element_type3A_503 = arith.extui %gt3A_502 : vector<16x128xi1> to vector<16x128xi32>
      %add3A_504 = arith.addi %add3A_476, %convert_element_type3A_503 : vector<16x128xi32>
      %get3A_505 = arith.constant 608 : index
      %get3A_506 = arith.constant 0 : index
      %get3A_507 = vector.load %arg7[%get3A_505, %get3A_506] : memref<2048x128xf32, #tpu.memory_space<vmem>>, vector<16x128xf32>
      %gt3A_508 = vector.broadcast %get3A_233 : vector<1x128xf32> to vector<16x128xf32>
      %gt3A_509 = arith.cmpf ogt, %get3A_507, %gt3A_508 : vector<16x128xf32>
      %convert_element_type3A_510 = arith.extui %gt3A_509 : vector<16x128xi1> to vector<16x128xi32>
      %add3A_511 = arith.addi %add3A_483, %convert_element_type3A_510 : vector<16x128xi32>
      %get3A_512 = arith.constant 624 : index
      %get3A_513 = arith.constant 0 : index
      %get3A_514 = vector.load %arg7[%get3A_512, %get3A_513] : memref<2048x128xf32, #tpu.memory_space<vmem>>, vector<16x128xf32>
      %gt3A_515 = vector.broadcast %get3A_233 : vector<1x128xf32> to vector<16x128xf32>
      %gt3A_516 = arith.cmpf ogt, %get3A_514, %gt3A_515 : vector<16x128xf32>
      %convert_element_type3A_517 = arith.extui %gt3A_516 : vector<16x128xi1> to vector<16x128xi32>
      %add3A_518 = arith.addi %add3A_490, %convert_element_type3A_517 : vector<16x128xi32>
      %get3A_519 = arith.constant 640 : index
      %get3A_520 = arith.constant 0 : index
      %get3A_521 = vector.load %arg7[%get3A_519, %get3A_520] : memref<2048x128xf32, #tpu.memory_space<vmem>>, vector<16x128xf32>
      %gt3A_522 = vector.broadcast %get3A_233 : vector<1x128xf32> to vector<16x128xf32>
      %gt3A_523 = arith.cmpf ogt, %get3A_521, %gt3A_522 : vector<16x128xf32>
      %convert_element_type3A_524 = arith.extui %gt3A_523 : vector<16x128xi1> to vector<16x128xi32>
      %add3A_525 = arith.addi %add3A_497, %convert_element_type3A_524 : vector<16x128xi32>
      %get3A_526 = arith.constant 656 : index
      %get3A_527 = arith.constant 0 : index
      %get3A_528 = vector.load %arg7[%get3A_526, %get3A_527] : memref<2048x128xf32, #tpu.memory_space<vmem>>, vector<16x128xf32>
      %gt3A_529 = vector.broadcast %get3A_233 : vector<1x128xf32> to vector<16x128xf32>
      %gt3A_530 = arith.cmpf ogt, %get3A_528, %gt3A_529 : vector<16x128xf32>
      %convert_element_type3A_531 = arith.extui %gt3A_530 : vector<16x128xi1> to vector<16x128xi32>
      %add3A_532 = arith.addi %add3A_504, %convert_element_type3A_531 : vector<16x128xi32>
      %get3A_533 = arith.constant 672 : index
      %get3A_534 = arith.constant 0 : index
      %get3A_535 = vector.load %arg7[%get3A_533, %get3A_534] : memref<2048x128xf32, #tpu.memory_space<vmem>>, vector<16x128xf32>
      %gt3A_536 = vector.broadcast %get3A_233 : vector<1x128xf32> to vector<16x128xf32>
      %gt3A_537 = arith.cmpf ogt, %get3A_535, %gt3A_536 : vector<16x128xf32>
      %convert_element_type3A_538 = arith.extui %gt3A_537 : vector<16x128xi1> to vector<16x128xi32>
      %add3A_539 = arith.addi %add3A_511, %convert_element_type3A_538 : vector<16x128xi32>
      %get3A_540 = arith.constant 688 : index
      %get3A_541 = arith.constant 0 : index
      %get3A_542 = vector.load %arg7[%get3A_540, %get3A_541] : memref<2048x128xf32, #tpu.memory_space<vmem>>, vector<16x128xf32>
      %gt3A_543 = vector.broadcast %get3A_233 : vector<1x128xf32> to vector<16x128xf32>
      %gt3A_544 = arith.cmpf ogt, %get3A_542, %gt3A_543 : vector<16x128xf32>
      %convert_element_type3A_545 = arith.extui %gt3A_544 : vector<16x128xi1> to vector<16x128xi32>
      %add3A_546 = arith.addi %add3A_518, %convert_element_type3A_545 : vector<16x128xi32>
      %get3A_547 = arith.constant 704 : index
      %get3A_548 = arith.constant 0 : index
      %get3A_549 = vector.load %arg7[%get3A_547, %get3A_548] : memref<2048x128xf32, #tpu.memory_space<vmem>>, vector<16x128xf32>
      %gt3A_550 = vector.broadcast %get3A_233 : vector<1x128xf32> to vector<16x128xf32>
      %gt3A_551 = arith.cmpf ogt, %get3A_549, %gt3A_550 : vector<16x128xf32>
      %convert_element_type3A_552 = arith.extui %gt3A_551 : vector<16x128xi1> to vector<16x128xi32>
      %add3A_553 = arith.addi %add3A_525, %convert_element_type3A_552 : vector<16x128xi32>
      %get3A_554 = arith.constant 720 : index
      %get3A_555 = arith.constant 0 : index
      %get3A_556 = vector.load %arg7[%get3A_554, %get3A_555] : memref<2048x128xf32, #tpu.memory_space<vmem>>, vector<16x128xf32>
      %gt3A_557 = vector.broadcast %get3A_233 : vector<1x128xf32> to vector<16x128xf32>
      %gt3A_558 = arith.cmpf ogt, %get3A_556, %gt3A_557 : vector<16x128xf32>
      %convert_element_type3A_559 = arith.extui %gt3A_558 : vector<16x128xi1> to vector<16x128xi32>
      %add3A_560 = arith.addi %add3A_532, %convert_element_type3A_559 : vector<16x128xi32>
      %get3A_561 = arith.constant 736 : index
      %get3A_562 = arith.constant 0 : index
      %get3A_563 = vector.load %arg7[%get3A_561, %get3A_562] : memref<2048x128xf32, #tpu.memory_space<vmem>>, vector<16x128xf32>
      %gt3A_564 = vector.broadcast %get3A_233 : vector<1x128xf32> to vector<16x128xf32>
      %gt3A_565 = arith.cmpf ogt, %get3A_563, %gt3A_564 : vector<16x128xf32>
      %convert_element_type3A_566 = arith.extui %gt3A_565 : vector<16x128xi1> to vector<16x128xi32>
      %add3A_567 = arith.addi %add3A_539, %convert_element_type3A_566 : vector<16x128xi32>
      %get3A_568 = arith.constant 752 : index
      %get3A_569 = arith.constant 0 : index
      %get3A_570 = vector.load %arg7[%get3A_568, %get3A_569] : memref<2048x128xf32, #tpu.memory_space<vmem>>, vector<16x128xf32>
      %gt3A_571 = vector.broadcast %get3A_233 : vector<1x128xf32> to vector<16x128xf32>
      %gt3A_572 = arith.cmpf ogt, %get3A_570, %gt3A_571 : vector<16x128xf32>
      %convert_element_type3A_573 = arith.extui %gt3A_572 : vector<16x128xi1> to vector<16x128xi32>
      %add3A_574 = arith.addi %add3A_546, %convert_element_type3A_573 : vector<16x128xi32>
      %get3A_575 = arith.constant 768 : index
      %get3A_576 = arith.constant 0 : index
      %get3A_577 = vector.load %arg7[%get3A_575, %get3A_576] : memref<2048x128xf32, #tpu.memory_space<vmem>>, vector<16x128xf32>
      %gt3A_578 = vector.broadcast %get3A_233 : vector<1x128xf32> to vector<16x128xf32>
      %gt3A_579 = arith.cmpf ogt, %get3A_577, %gt3A_578 : vector<16x128xf32>
      %convert_element_type3A_580 = arith.extui %gt3A_579 : vector<16x128xi1> to vector<16x128xi32>
      %add3A_581 = arith.addi %add3A_553, %convert_element_type3A_580 : vector<16x128xi32>
      %get3A_582 = arith.constant 784 : index
      %get3A_583 = arith.constant 0 : index
      %get3A_584 = vector.load %arg7[%get3A_582, %get3A_583] : memref<2048x128xf32, #tpu.memory_space<vmem>>, vector<16x128xf32>
      %gt3A_585 = vector.broadcast %get3A_233 : vector<1x128xf32> to vector<16x128xf32>
      %gt3A_586 = arith.cmpf ogt, %get3A_584, %gt3A_585 : vector<16x128xf32>
      %convert_element_type3A_587 = arith.extui %gt3A_586 : vector<16x128xi1> to vector<16x128xi32>
      %add3A_588 = arith.addi %add3A_560, %convert_element_type3A_587 : vector<16x128xi32>
      %get3A_589 = arith.constant 800 : index
      %get3A_590 = arith.constant 0 : index
      %get3A_591 = vector.load %arg7[%get3A_589, %get3A_590] : memref<2048x128xf32, #tpu.memory_space<vmem>>, vector<16x128xf32>
      %gt3A_592 = vector.broadcast %get3A_233 : vector<1x128xf32> to vector<16x128xf32>
      %gt3A_593 = arith.cmpf ogt, %get3A_591, %gt3A_592 : vector<16x128xf32>
      %convert_element_type3A_594 = arith.extui %gt3A_593 : vector<16x128xi1> to vector<16x128xi32>
      %add3A_595 = arith.addi %add3A_567, %convert_element_type3A_594 : vector<16x128xi32>
      %get3A_596 = arith.constant 816 : index
      %get3A_597 = arith.constant 0 : index
      %get3A_598 = vector.load %arg7[%get3A_596, %get3A_597] : memref<2048x128xf32, #tpu.memory_space<vmem>>, vector<16x128xf32>
      %gt3A_599 = vector.broadcast %get3A_233 : vector<1x128xf32> to vector<16x128xf32>
      %gt3A_600 = arith.cmpf ogt, %get3A_598, %gt3A_599 : vector<16x128xf32>
      %convert_element_type3A_601 = arith.extui %gt3A_600 : vector<16x128xi1> to vector<16x128xi32>
      %add3A_602 = arith.addi %add3A_574, %convert_element_type3A_601 : vector<16x128xi32>
      %get3A_603 = arith.constant 832 : index
      %get3A_604 = arith.constant 0 : index
      %get3A_605 = vector.load %arg7[%get3A_603, %get3A_604] : memref<2048x128xf32, #tpu.memory_space<vmem>>, vector<16x128xf32>
      %gt3A_606 = vector.broadcast %get3A_233 : vector<1x128xf32> to vector<16x128xf32>
      %gt3A_607 = arith.cmpf ogt, %get3A_605, %gt3A_606 : vector<16x128xf32>
      %convert_element_type3A_608 = arith.extui %gt3A_607 : vector<16x128xi1> to vector<16x128xi32>
      %add3A_609 = arith.addi %add3A_581, %convert_element_type3A_608 : vector<16x128xi32>
      %get3A_610 = arith.constant 848 : index
      %get3A_611 = arith.constant 0 : index
      %get3A_612 = vector.load %arg7[%get3A_610, %get3A_611] : memref<2048x128xf32, #tpu.memory_space<vmem>>, vector<16x128xf32>
      %gt3A_613 = vector.broadcast %get3A_233 : vector<1x128xf32> to vector<16x128xf32>
      %gt3A_614 = arith.cmpf ogt, %get3A_612, %gt3A_613 : vector<16x128xf32>
      %convert_element_type3A_615 = arith.extui %gt3A_614 : vector<16x128xi1> to vector<16x128xi32>
      %add3A_616 = arith.addi %add3A_588, %convert_element_type3A_615 : vector<16x128xi32>
      %get3A_617 = arith.constant 864 : index
      %get3A_618 = arith.constant 0 : index
      %get3A_619 = vector.load %arg7[%get3A_617, %get3A_618] : memref<2048x128xf32, #tpu.memory_space<vmem>>, vector<16x128xf32>
      %gt3A_620 = vector.broadcast %get3A_233 : vector<1x128xf32> to vector<16x128xf32>
      %gt3A_621 = arith.cmpf ogt, %get3A_619, %gt3A_620 : vector<16x128xf32>
      %convert_element_type3A_622 = arith.extui %gt3A_621 : vector<16x128xi1> to vector<16x128xi32>
      %add3A_623 = arith.addi %add3A_595, %convert_element_type3A_622 : vector<16x128xi32>
      %get3A_624 = arith.constant 880 : index
      %get3A_625 = arith.constant 0 : index
      %get3A_626 = vector.load %arg7[%get3A_624, %get3A_625] : memref<2048x128xf32, #tpu.memory_space<vmem>>, vector<16x128xf32>
      %gt3A_627 = vector.broadcast %get3A_233 : vector<1x128xf32> to vector<16x128xf32>
      %gt3A_628 = arith.cmpf ogt, %get3A_626, %gt3A_627 : vector<16x128xf32>
      %convert_element_type3A_629 = arith.extui %gt3A_628 : vector<16x128xi1> to vector<16x128xi32>
      %add3A_630 = arith.addi %add3A_602, %convert_element_type3A_629 : vector<16x128xi32>
      %get3A_631 = arith.constant 896 : index
      %get3A_632 = arith.constant 0 : index
      %get3A_633 = vector.load %arg7[%get3A_631, %get3A_632] : memref<2048x128xf32, #tpu.memory_space<vmem>>, vector<16x128xf32>
      %gt3A_634 = vector.broadcast %get3A_233 : vector<1x128xf32> to vector<16x128xf32>
      %gt3A_635 = arith.cmpf ogt, %get3A_633, %gt3A_634 : vector<16x128xf32>
      %convert_element_type3A_636 = arith.extui %gt3A_635 : vector<16x128xi1> to vector<16x128xi32>
      %add3A_637 = arith.addi %add3A_609, %convert_element_type3A_636 : vector<16x128xi32>
      %get3A_638 = arith.constant 912 : index
      %get3A_639 = arith.constant 0 : index
      %get3A_640 = vector.load %arg7[%get3A_638, %get3A_639] : memref<2048x128xf32, #tpu.memory_space<vmem>>, vector<16x128xf32>
      %gt3A_641 = vector.broadcast %get3A_233 : vector<1x128xf32> to vector<16x128xf32>
      %gt3A_642 = arith.cmpf ogt, %get3A_640, %gt3A_641 : vector<16x128xf32>
      %convert_element_type3A_643 = arith.extui %gt3A_642 : vector<16x128xi1> to vector<16x128xi32>
      %add3A_644 = arith.addi %add3A_616, %convert_element_type3A_643 : vector<16x128xi32>
      %get3A_645 = arith.constant 928 : index
      %get3A_646 = arith.constant 0 : index
      %get3A_647 = vector.load %arg7[%get3A_645, %get3A_646] : memref<2048x128xf32, #tpu.memory_space<vmem>>, vector<16x128xf32>
      %gt3A_648 = vector.broadcast %get3A_233 : vector<1x128xf32> to vector<16x128xf32>
      %gt3A_649 = arith.cmpf ogt, %get3A_647, %gt3A_648 : vector<16x128xf32>
      %convert_element_type3A_650 = arith.extui %gt3A_649 : vector<16x128xi1> to vector<16x128xi32>
      %add3A_651 = arith.addi %add3A_623, %convert_element_type3A_650 : vector<16x128xi32>
      %get3A_652 = arith.constant 944 : index
      %get3A_653 = arith.constant 0 : index
      %get3A_654 = vector.load %arg7[%get3A_652, %get3A_653] : memref<2048x128xf32, #tpu.memory_space<vmem>>, vector<16x128xf32>
      %gt3A_655 = vector.broadcast %get3A_233 : vector<1x128xf32> to vector<16x128xf32>
      %gt3A_656 = arith.cmpf ogt, %get3A_654, %gt3A_655 : vector<16x128xf32>
      %convert_element_type3A_657 = arith.extui %gt3A_656 : vector<16x128xi1> to vector<16x128xi32>
      %add3A_658 = arith.addi %add3A_630, %convert_element_type3A_657 : vector<16x128xi32>
      %get3A_659 = arith.constant 960 : index
      %get3A_660 = arith.constant 0 : index
      %get3A_661 = vector.load %arg7[%get3A_659, %get3A_660] : memref<2048x128xf32, #tpu.memory_space<vmem>>, vector<16x128xf32>
      %gt3A_662 = vector.broadcast %get3A_233 : vector<1x128xf32> to vector<16x128xf32>
      %gt3A_663 = arith.cmpf ogt, %get3A_661, %gt3A_662 : vector<16x128xf32>
      %convert_element_type3A_664 = arith.extui %gt3A_663 : vector<16x128xi1> to vector<16x128xi32>
      %add3A_665 = arith.addi %add3A_637, %convert_element_type3A_664 : vector<16x128xi32>
      %get3A_666 = arith.constant 976 : index
      %get3A_667 = arith.constant 0 : index
      %get3A_668 = vector.load %arg7[%get3A_666, %get3A_667] : memref<2048x128xf32, #tpu.memory_space<vmem>>, vector<16x128xf32>
      %gt3A_669 = vector.broadcast %get3A_233 : vector<1x128xf32> to vector<16x128xf32>
      %gt3A_670 = arith.cmpf ogt, %get3A_668, %gt3A_669 : vector<16x128xf32>
      %convert_element_type3A_671 = arith.extui %gt3A_670 : vector<16x128xi1> to vector<16x128xi32>
      %add3A_672 = arith.addi %add3A_644, %convert_element_type3A_671 : vector<16x128xi32>
      %get3A_673 = arith.constant 992 : index
      %get3A_674 = arith.constant 0 : index
      %get3A_675 = vector.load %arg7[%get3A_673, %get3A_674] : memref<2048x128xf32, #tpu.memory_space<vmem>>, vector<16x128xf32>
      %gt3A_676 = vector.broadcast %get3A_233 : vector<1x128xf32> to vector<16x128xf32>
      %gt3A_677 = arith.cmpf ogt, %get3A_675, %gt3A_676 : vector<16x128xf32>
      %convert_element_type3A_678 = arith.extui %gt3A_677 : vector<16x128xi1> to vector<16x128xi32>
      %add3A_679 = arith.addi %add3A_651, %convert_element_type3A_678 : vector<16x128xi32>
      %get3A_680 = arith.constant 1008 : index
      %get3A_681 = arith.constant 0 : index
      %get3A_682 = vector.load %arg7[%get3A_680, %get3A_681] : memref<2048x128xf32, #tpu.memory_space<vmem>>, vector<16x128xf32>
      %gt3A_683 = vector.broadcast %get3A_233 : vector<1x128xf32> to vector<16x128xf32>
      %gt3A_684 = arith.cmpf ogt, %get3A_682, %gt3A_683 : vector<16x128xf32>
      %convert_element_type3A_685 = arith.extui %gt3A_684 : vector<16x128xi1> to vector<16x128xi32>
      %add3A_686 = arith.addi %add3A_658, %convert_element_type3A_685 : vector<16x128xi32>
      %get3A_687 = arith.constant 1024 : index
      %get3A_688 = arith.constant 0 : index
      %get3A_689 = vector.load %arg7[%get3A_687, %get3A_688] : memref<2048x128xf32, #tpu.memory_space<vmem>>, vector<16x128xf32>
      %gt3A_690 = vector.broadcast %get3A_233 : vector<1x128xf32> to vector<16x128xf32>
      %gt3A_691 = arith.cmpf ogt, %get3A_689, %gt3A_690 : vector<16x128xf32>
      %convert_element_type3A_692 = arith.extui %gt3A_691 : vector<16x128xi1> to vector<16x128xi32>
      %add3A_693 = arith.addi %add3A_665, %convert_element_type3A_692 : vector<16x128xi32>
      %get3A_694 = arith.constant 1040 : index
      %get3A_695 = arith.constant 0 : index
      %get3A_696 = vector.load %arg7[%get3A_694, %get3A_695] : memref<2048x128xf32, #tpu.memory_space<vmem>>, vector<16x128xf32>
      %gt3A_697 = vector.broadcast %get3A_233 : vector<1x128xf32> to vector<16x128xf32>
      %gt3A_698 = arith.cmpf ogt, %get3A_696, %gt3A_697 : vector<16x128xf32>
      %convert_element_type3A_699 = arith.extui %gt3A_698 : vector<16x128xi1> to vector<16x128xi32>
      %add3A_700 = arith.addi %add3A_672, %convert_element_type3A_699 : vector<16x128xi32>
      %get3A_701 = arith.constant 1056 : index
      %get3A_702 = arith.constant 0 : index
      %get3A_703 = vector.load %arg7[%get3A_701, %get3A_702] : memref<2048x128xf32, #tpu.memory_space<vmem>>, vector<16x128xf32>
      %gt3A_704 = vector.broadcast %get3A_233 : vector<1x128xf32> to vector<16x128xf32>
      %gt3A_705 = arith.cmpf ogt, %get3A_703, %gt3A_704 : vector<16x128xf32>
      %convert_element_type3A_706 = arith.extui %gt3A_705 : vector<16x128xi1> to vector<16x128xi32>
      %add3A_707 = arith.addi %add3A_679, %convert_element_type3A_706 : vector<16x128xi32>
      %get3A_708 = arith.constant 1072 : index
      %get3A_709 = arith.constant 0 : index
      %get3A_710 = vector.load %arg7[%get3A_708, %get3A_709] : memref<2048x128xf32, #tpu.memory_space<vmem>>, vector<16x128xf32>
      %gt3A_711 = vector.broadcast %get3A_233 : vector<1x128xf32> to vector<16x128xf32>
      %gt3A_712 = arith.cmpf ogt, %get3A_710, %gt3A_711 : vector<16x128xf32>
      %convert_element_type3A_713 = arith.extui %gt3A_712 : vector<16x128xi1> to vector<16x128xi32>
      %add3A_714 = arith.addi %add3A_686, %convert_element_type3A_713 : vector<16x128xi32>
      %get3A_715 = arith.constant 1088 : index
      %get3A_716 = arith.constant 0 : index
      %get3A_717 = vector.load %arg7[%get3A_715, %get3A_716] : memref<2048x128xf32, #tpu.memory_space<vmem>>, vector<16x128xf32>
      %gt3A_718 = vector.broadcast %get3A_233 : vector<1x128xf32> to vector<16x128xf32>
      %gt3A_719 = arith.cmpf ogt, %get3A_717, %gt3A_718 : vector<16x128xf32>
      %convert_element_type3A_720 = arith.extui %gt3A_719 : vector<16x128xi1> to vector<16x128xi32>
      %add3A_721 = arith.addi %add3A_693, %convert_element_type3A_720 : vector<16x128xi32>
      %get3A_722 = arith.constant 1104 : index
      %get3A_723 = arith.constant 0 : index
      %get3A_724 = vector.load %arg7[%get3A_722, %get3A_723] : memref<2048x128xf32, #tpu.memory_space<vmem>>, vector<16x128xf32>
      %gt3A_725 = vector.broadcast %get3A_233 : vector<1x128xf32> to vector<16x128xf32>
      %gt3A_726 = arith.cmpf ogt, %get3A_724, %gt3A_725 : vector<16x128xf32>
      %convert_element_type3A_727 = arith.extui %gt3A_726 : vector<16x128xi1> to vector<16x128xi32>
      %add3A_728 = arith.addi %add3A_700, %convert_element_type3A_727 : vector<16x128xi32>
      %get3A_729 = arith.constant 1120 : index
      %get3A_730 = arith.constant 0 : index
      %get3A_731 = vector.load %arg7[%get3A_729, %get3A_730] : memref<2048x128xf32, #tpu.memory_space<vmem>>, vector<16x128xf32>
      %gt3A_732 = vector.broadcast %get3A_233 : vector<1x128xf32> to vector<16x128xf32>
      %gt3A_733 = arith.cmpf ogt, %get3A_731, %gt3A_732 : vector<16x128xf32>
      %convert_element_type3A_734 = arith.extui %gt3A_733 : vector<16x128xi1> to vector<16x128xi32>
      %add3A_735 = arith.addi %add3A_707, %convert_element_type3A_734 : vector<16x128xi32>
      %get3A_736 = arith.constant 1136 : index
      %get3A_737 = arith.constant 0 : index
      %get3A_738 = vector.load %arg7[%get3A_736, %get3A_737] : memref<2048x128xf32, #tpu.memory_space<vmem>>, vector<16x128xf32>
      %gt3A_739 = vector.broadcast %get3A_233 : vector<1x128xf32> to vector<16x128xf32>
      %gt3A_740 = arith.cmpf ogt, %get3A_738, %gt3A_739 : vector<16x128xf32>
      %convert_element_type3A_741 = arith.extui %gt3A_740 : vector<16x128xi1> to vector<16x128xi32>
      %add3A_742 = arith.addi %add3A_714, %convert_element_type3A_741 : vector<16x128xi32>
      %get3A_743 = arith.constant 1152 : index
      %get3A_744 = arith.constant 0 : index
      %get3A_745 = vector.load %arg7[%get3A_743, %get3A_744] : memref<2048x128xf32, #tpu.memory_space<vmem>>, vector<16x128xf32>
      %gt3A_746 = vector.broadcast %get3A_233 : vector<1x128xf32> to vector<16x128xf32>
      %gt3A_747 = arith.cmpf ogt, %get3A_745, %gt3A_746 : vector<16x128xf32>
      %convert_element_type3A_748 = arith.extui %gt3A_747 : vector<16x128xi1> to vector<16x128xi32>
      %add3A_749 = arith.addi %add3A_721, %convert_element_type3A_748 : vector<16x128xi32>
      %get3A_750 = arith.constant 1168 : index
      %get3A_751 = arith.constant 0 : index
      %get3A_752 = vector.load %arg7[%get3A_750, %get3A_751] : memref<2048x128xf32, #tpu.memory_space<vmem>>, vector<16x128xf32>
      %gt3A_753 = vector.broadcast %get3A_233 : vector<1x128xf32> to vector<16x128xf32>
      %gt3A_754 = arith.cmpf ogt, %get3A_752, %gt3A_753 : vector<16x128xf32>
      %convert_element_type3A_755 = arith.extui %gt3A_754 : vector<16x128xi1> to vector<16x128xi32>
      %add3A_756 = arith.addi %add3A_728, %convert_element_type3A_755 : vector<16x128xi32>
      %get3A_757 = arith.constant 1184 : index
      %get3A_758 = arith.constant 0 : index
      %get3A_759 = vector.load %arg7[%get3A_757, %get3A_758] : memref<2048x128xf32, #tpu.memory_space<vmem>>, vector<16x128xf32>
      %gt3A_760 = vector.broadcast %get3A_233 : vector<1x128xf32> to vector<16x128xf32>
      %gt3A_761 = arith.cmpf ogt, %get3A_759, %gt3A_760 : vector<16x128xf32>
      %convert_element_type3A_762 = arith.extui %gt3A_761 : vector<16x128xi1> to vector<16x128xi32>
      %add3A_763 = arith.addi %add3A_735, %convert_element_type3A_762 : vector<16x128xi32>
      %get3A_764 = arith.constant 1200 : index
      %get3A_765 = arith.constant 0 : index
      %get3A_766 = vector.load %arg7[%get3A_764, %get3A_765] : memref<2048x128xf32, #tpu.memory_space<vmem>>, vector<16x128xf32>
      %gt3A_767 = vector.broadcast %get3A_233 : vector<1x128xf32> to vector<16x128xf32>
      %gt3A_768 = arith.cmpf ogt, %get3A_766, %gt3A_767 : vector<16x128xf32>
      %convert_element_type3A_769 = arith.extui %gt3A_768 : vector<16x128xi1> to vector<16x128xi32>
      %add3A_770 = arith.addi %add3A_742, %convert_element_type3A_769 : vector<16x128xi32>
      %get3A_771 = arith.constant 1216 : index
      %get3A_772 = arith.constant 0 : index
      %get3A_773 = vector.load %arg7[%get3A_771, %get3A_772] : memref<2048x128xf32, #tpu.memory_space<vmem>>, vector<16x128xf32>
      %gt3A_774 = vector.broadcast %get3A_233 : vector<1x128xf32> to vector<16x128xf32>
      %gt3A_775 = arith.cmpf ogt, %get3A_773, %gt3A_774 : vector<16x128xf32>
      %convert_element_type3A_776 = arith.extui %gt3A_775 : vector<16x128xi1> to vector<16x128xi32>
      %add3A_777 = arith.addi %add3A_749, %convert_element_type3A_776 : vector<16x128xi32>
      %get3A_778 = arith.constant 1232 : index
      %get3A_779 = arith.constant 0 : index
      %get3A_780 = vector.load %arg7[%get3A_778, %get3A_779] : memref<2048x128xf32, #tpu.memory_space<vmem>>, vector<16x128xf32>
      %gt3A_781 = vector.broadcast %get3A_233 : vector<1x128xf32> to vector<16x128xf32>
      %gt3A_782 = arith.cmpf ogt, %get3A_780, %gt3A_781 : vector<16x128xf32>
      %convert_element_type3A_783 = arith.extui %gt3A_782 : vector<16x128xi1> to vector<16x128xi32>
      %add3A_784 = arith.addi %add3A_756, %convert_element_type3A_783 : vector<16x128xi32>
      %get3A_785 = arith.constant 1248 : index
      %get3A_786 = arith.constant 0 : index
      %get3A_787 = vector.load %arg7[%get3A_785, %get3A_786] : memref<2048x128xf32, #tpu.memory_space<vmem>>, vector<16x128xf32>
      %gt3A_788 = vector.broadcast %get3A_233 : vector<1x128xf32> to vector<16x128xf32>
      %gt3A_789 = arith.cmpf ogt, %get3A_787, %gt3A_788 : vector<16x128xf32>
      %convert_element_type3A_790 = arith.extui %gt3A_789 : vector<16x128xi1> to vector<16x128xi32>
      %add3A_791 = arith.addi %add3A_763, %convert_element_type3A_790 : vector<16x128xi32>
      %get3A_792 = arith.constant 1264 : index
      %get3A_793 = arith.constant 0 : index
      %get3A_794 = vector.load %arg7[%get3A_792, %get3A_793] : memref<2048x128xf32, #tpu.memory_space<vmem>>, vector<16x128xf32>
      %gt3A_795 = vector.broadcast %get3A_233 : vector<1x128xf32> to vector<16x128xf32>
      %gt3A_796 = arith.cmpf ogt, %get3A_794, %gt3A_795 : vector<16x128xf32>
      %convert_element_type3A_797 = arith.extui %gt3A_796 : vector<16x128xi1> to vector<16x128xi32>
      %add3A_798 = arith.addi %add3A_770, %convert_element_type3A_797 : vector<16x128xi32>
      %get3A_799 = arith.constant 1280 : index
      %get3A_800 = arith.constant 0 : index
      %get3A_801 = vector.load %arg7[%get3A_799, %get3A_800] : memref<2048x128xf32, #tpu.memory_space<vmem>>, vector<16x128xf32>
      %gt3A_802 = vector.broadcast %get3A_233 : vector<1x128xf32> to vector<16x128xf32>
      %gt3A_803 = arith.cmpf ogt, %get3A_801, %gt3A_802 : vector<16x128xf32>
      %convert_element_type3A_804 = arith.extui %gt3A_803 : vector<16x128xi1> to vector<16x128xi32>
      %add3A_805 = arith.addi %add3A_777, %convert_element_type3A_804 : vector<16x128xi32>
      %get3A_806 = arith.constant 1296 : index
      %get3A_807 = arith.constant 0 : index
      %get3A_808 = vector.load %arg7[%get3A_806, %get3A_807] : memref<2048x128xf32, #tpu.memory_space<vmem>>, vector<16x128xf32>
      %gt3A_809 = vector.broadcast %get3A_233 : vector<1x128xf32> to vector<16x128xf32>
      %gt3A_810 = arith.cmpf ogt, %get3A_808, %gt3A_809 : vector<16x128xf32>
      %convert_element_type3A_811 = arith.extui %gt3A_810 : vector<16x128xi1> to vector<16x128xi32>
      %add3A_812 = arith.addi %add3A_784, %convert_element_type3A_811 : vector<16x128xi32>
      %get3A_813 = arith.constant 1312 : index
      %get3A_814 = arith.constant 0 : index
      %get3A_815 = vector.load %arg7[%get3A_813, %get3A_814] : memref<2048x128xf32, #tpu.memory_space<vmem>>, vector<16x128xf32>
      %gt3A_816 = vector.broadcast %get3A_233 : vector<1x128xf32> to vector<16x128xf32>
      %gt3A_817 = arith.cmpf ogt, %get3A_815, %gt3A_816 : vector<16x128xf32>
      %convert_element_type3A_818 = arith.extui %gt3A_817 : vector<16x128xi1> to vector<16x128xi32>
      %add3A_819 = arith.addi %add3A_791, %convert_element_type3A_818 : vector<16x128xi32>
      %get3A_820 = arith.constant 1328 : index
      %get3A_821 = arith.constant 0 : index
      %get3A_822 = vector.load %arg7[%get3A_820, %get3A_821] : memref<2048x128xf32, #tpu.memory_space<vmem>>, vector<16x128xf32>
      %gt3A_823 = vector.broadcast %get3A_233 : vector<1x128xf32> to vector<16x128xf32>
      %gt3A_824 = arith.cmpf ogt, %get3A_822, %gt3A_823 : vector<16x128xf32>
      %convert_element_type3A_825 = arith.extui %gt3A_824 : vector<16x128xi1> to vector<16x128xi32>
      %add3A_826 = arith.addi %add3A_798, %convert_element_type3A_825 : vector<16x128xi32>
      %get3A_827 = arith.constant 1344 : index
      %get3A_828 = arith.constant 0 : index
      %get3A_829 = vector.load %arg7[%get3A_827, %get3A_828] : memref<2048x128xf32, #tpu.memory_space<vmem>>, vector<16x128xf32>
      %gt3A_830 = vector.broadcast %get3A_233 : vector<1x128xf32> to vector<16x128xf32>
      %gt3A_831 = arith.cmpf ogt, %get3A_829, %gt3A_830 : vector<16x128xf32>
      %convert_element_type3A_832 = arith.extui %gt3A_831 : vector<16x128xi1> to vector<16x128xi32>
      %add3A_833 = arith.addi %add3A_805, %convert_element_type3A_832 : vector<16x128xi32>
      %get3A_834 = arith.constant 1360 : index
      %get3A_835 = arith.constant 0 : index
      %get3A_836 = vector.load %arg7[%get3A_834, %get3A_835] : memref<2048x128xf32, #tpu.memory_space<vmem>>, vector<16x128xf32>
      %gt3A_837 = vector.broadcast %get3A_233 : vector<1x128xf32> to vector<16x128xf32>
      %gt3A_838 = arith.cmpf ogt, %get3A_836, %gt3A_837 : vector<16x128xf32>
      %convert_element_type3A_839 = arith.extui %gt3A_838 : vector<16x128xi1> to vector<16x128xi32>
      %add3A_840 = arith.addi %add3A_812, %convert_element_type3A_839 : vector<16x128xi32>
      %get3A_841 = arith.constant 1376 : index
      %get3A_842 = arith.constant 0 : index
      %get3A_843 = vector.load %arg7[%get3A_841, %get3A_842] : memref<2048x128xf32, #tpu.memory_space<vmem>>, vector<16x128xf32>
      %gt3A_844 = vector.broadcast %get3A_233 : vector<1x128xf32> to vector<16x128xf32>
      %gt3A_845 = arith.cmpf ogt, %get3A_843, %gt3A_844 : vector<16x128xf32>
      %convert_element_type3A_846 = arith.extui %gt3A_845 : vector<16x128xi1> to vector<16x128xi32>
      %add3A_847 = arith.addi %add3A_819, %convert_element_type3A_846 : vector<16x128xi32>
      %get3A_848 = arith.constant 1392 : index
      %get3A_849 = arith.constant 0 : index
      %get3A_850 = vector.load %arg7[%get3A_848, %get3A_849] : memref<2048x128xf32, #tpu.memory_space<vmem>>, vector<16x128xf32>
      %gt3A_851 = vector.broadcast %get3A_233 : vector<1x128xf32> to vector<16x128xf32>
      %gt3A_852 = arith.cmpf ogt, %get3A_850, %gt3A_851 : vector<16x128xf32>
      %convert_element_type3A_853 = arith.extui %gt3A_852 : vector<16x128xi1> to vector<16x128xi32>
      %add3A_854 = arith.addi %add3A_826, %convert_element_type3A_853 : vector<16x128xi32>
      %get3A_855 = arith.constant 1408 : index
      %get3A_856 = arith.constant 0 : index
      %get3A_857 = vector.load %arg7[%get3A_855, %get3A_856] : memref<2048x128xf32, #tpu.memory_space<vmem>>, vector<16x128xf32>
      %gt3A_858 = vector.broadcast %get3A_233 : vector<1x128xf32> to vector<16x128xf32>
      %gt3A_859 = arith.cmpf ogt, %get3A_857, %gt3A_858 : vector<16x128xf32>
      %convert_element_type3A_860 = arith.extui %gt3A_859 : vector<16x128xi1> to vector<16x128xi32>
      %add3A_861 = arith.addi %add3A_833, %convert_element_type3A_860 : vector<16x128xi32>
      %get3A_862 = arith.constant 1424 : index
      %get3A_863 = arith.constant 0 : index
      %get3A_864 = vector.load %arg7[%get3A_862, %get3A_863] : memref<2048x128xf32, #tpu.memory_space<vmem>>, vector<16x128xf32>
      %gt3A_865 = vector.broadcast %get3A_233 : vector<1x128xf32> to vector<16x128xf32>
      %gt3A_866 = arith.cmpf ogt, %get3A_864, %gt3A_865 : vector<16x128xf32>
      %convert_element_type3A_867 = arith.extui %gt3A_866 : vector<16x128xi1> to vector<16x128xi32>
      %add3A_868 = arith.addi %add3A_840, %convert_element_type3A_867 : vector<16x128xi32>
      %get3A_869 = arith.constant 1440 : index
      %get3A_870 = arith.constant 0 : index
      %get3A_871 = vector.load %arg7[%get3A_869, %get3A_870] : memref<2048x128xf32, #tpu.memory_space<vmem>>, vector<16x128xf32>
      %gt3A_872 = vector.broadcast %get3A_233 : vector<1x128xf32> to vector<16x128xf32>
      %gt3A_873 = arith.cmpf ogt, %get3A_871, %gt3A_872 : vector<16x128xf32>
      %convert_element_type3A_874 = arith.extui %gt3A_873 : vector<16x128xi1> to vector<16x128xi32>
      %add3A_875 = arith.addi %add3A_847, %convert_element_type3A_874 : vector<16x128xi32>
      %get3A_876 = arith.constant 1456 : index
      %get3A_877 = arith.constant 0 : index
      %get3A_878 = vector.load %arg7[%get3A_876, %get3A_877] : memref<2048x128xf32, #tpu.memory_space<vmem>>, vector<16x128xf32>
      %gt3A_879 = vector.broadcast %get3A_233 : vector<1x128xf32> to vector<16x128xf32>
      %gt3A_880 = arith.cmpf ogt, %get3A_878, %gt3A_879 : vector<16x128xf32>
      %convert_element_type3A_881 = arith.extui %gt3A_880 : vector<16x128xi1> to vector<16x128xi32>
      %add3A_882 = arith.addi %add3A_854, %convert_element_type3A_881 : vector<16x128xi32>
      %get3A_883 = arith.constant 1472 : index
      %get3A_884 = arith.constant 0 : index
      %get3A_885 = vector.load %arg7[%get3A_883, %get3A_884] : memref<2048x128xf32, #tpu.memory_space<vmem>>, vector<16x128xf32>
      %gt3A_886 = vector.broadcast %get3A_233 : vector<1x128xf32> to vector<16x128xf32>
      %gt3A_887 = arith.cmpf ogt, %get3A_885, %gt3A_886 : vector<16x128xf32>
      %convert_element_type3A_888 = arith.extui %gt3A_887 : vector<16x128xi1> to vector<16x128xi32>
      %add3A_889 = arith.addi %add3A_861, %convert_element_type3A_888 : vector<16x128xi32>
      %get3A_890 = arith.constant 1488 : index
      %get3A_891 = arith.constant 0 : index
      %get3A_892 = vector.load %arg7[%get3A_890, %get3A_891] : memref<2048x128xf32, #tpu.memory_space<vmem>>, vector<16x128xf32>
      %gt3A_893 = vector.broadcast %get3A_233 : vector<1x128xf32> to vector<16x128xf32>
      %gt3A_894 = arith.cmpf ogt, %get3A_892, %gt3A_893 : vector<16x128xf32>
      %convert_element_type3A_895 = arith.extui %gt3A_894 : vector<16x128xi1> to vector<16x128xi32>
      %add3A_896 = arith.addi %add3A_868, %convert_element_type3A_895 : vector<16x128xi32>
      %get3A_897 = arith.constant 1504 : index
      %get3A_898 = arith.constant 0 : index
      %get3A_899 = vector.load %arg7[%get3A_897, %get3A_898] : memref<2048x128xf32, #tpu.memory_space<vmem>>, vector<16x128xf32>
      %gt3A_900 = vector.broadcast %get3A_233 : vector<1x128xf32> to vector<16x128xf32>
      %gt3A_901 = arith.cmpf ogt, %get3A_899, %gt3A_900 : vector<16x128xf32>
      %convert_element_type3A_902 = arith.extui %gt3A_901 : vector<16x128xi1> to vector<16x128xi32>
      %add3A_903 = arith.addi %add3A_875, %convert_element_type3A_902 : vector<16x128xi32>
      %get3A_904 = arith.constant 1520 : index
      %get3A_905 = arith.constant 0 : index
      %get3A_906 = vector.load %arg7[%get3A_904, %get3A_905] : memref<2048x128xf32, #tpu.memory_space<vmem>>, vector<16x128xf32>
      %gt3A_907 = vector.broadcast %get3A_233 : vector<1x128xf32> to vector<16x128xf32>
      %gt3A_908 = arith.cmpf ogt, %get3A_906, %gt3A_907 : vector<16x128xf32>
      %convert_element_type3A_909 = arith.extui %gt3A_908 : vector<16x128xi1> to vector<16x128xi32>
      %add3A_910 = arith.addi %add3A_882, %convert_element_type3A_909 : vector<16x128xi32>
      %get3A_911 = arith.constant 1536 : index
      %get3A_912 = arith.constant 0 : index
      %get3A_913 = vector.load %arg7[%get3A_911, %get3A_912] : memref<2048x128xf32, #tpu.memory_space<vmem>>, vector<16x128xf32>
      %gt3A_914 = vector.broadcast %get3A_233 : vector<1x128xf32> to vector<16x128xf32>
      %gt3A_915 = arith.cmpf ogt, %get3A_913, %gt3A_914 : vector<16x128xf32>
      %convert_element_type3A_916 = arith.extui %gt3A_915 : vector<16x128xi1> to vector<16x128xi32>
      %add3A_917 = arith.addi %add3A_889, %convert_element_type3A_916 : vector<16x128xi32>
      %get3A_918 = arith.constant 1552 : index
      %get3A_919 = arith.constant 0 : index
      %get3A_920 = vector.load %arg7[%get3A_918, %get3A_919] : memref<2048x128xf32, #tpu.memory_space<vmem>>, vector<16x128xf32>
      %gt3A_921 = vector.broadcast %get3A_233 : vector<1x128xf32> to vector<16x128xf32>
      %gt3A_922 = arith.cmpf ogt, %get3A_920, %gt3A_921 : vector<16x128xf32>
      %convert_element_type3A_923 = arith.extui %gt3A_922 : vector<16x128xi1> to vector<16x128xi32>
      %add3A_924 = arith.addi %add3A_896, %convert_element_type3A_923 : vector<16x128xi32>
      %get3A_925 = arith.constant 1568 : index
      %get3A_926 = arith.constant 0 : index
      %get3A_927 = vector.load %arg7[%get3A_925, %get3A_926] : memref<2048x128xf32, #tpu.memory_space<vmem>>, vector<16x128xf32>
      %gt3A_928 = vector.broadcast %get3A_233 : vector<1x128xf32> to vector<16x128xf32>
      %gt3A_929 = arith.cmpf ogt, %get3A_927, %gt3A_928 : vector<16x128xf32>
      %convert_element_type3A_930 = arith.extui %gt3A_929 : vector<16x128xi1> to vector<16x128xi32>
      %add3A_931 = arith.addi %add3A_903, %convert_element_type3A_930 : vector<16x128xi32>
      %get3A_932 = arith.constant 1584 : index
      %get3A_933 = arith.constant 0 : index
      %get3A_934 = vector.load %arg7[%get3A_932, %get3A_933] : memref<2048x128xf32, #tpu.memory_space<vmem>>, vector<16x128xf32>
      %gt3A_935 = vector.broadcast %get3A_233 : vector<1x128xf32> to vector<16x128xf32>
      %gt3A_936 = arith.cmpf ogt, %get3A_934, %gt3A_935 : vector<16x128xf32>
      %convert_element_type3A_937 = arith.extui %gt3A_936 : vector<16x128xi1> to vector<16x128xi32>
      %add3A_938 = arith.addi %add3A_910, %convert_element_type3A_937 : vector<16x128xi32>
      %get3A_939 = arith.constant 1600 : index
      %get3A_940 = arith.constant 0 : index
      %get3A_941 = vector.load %arg7[%get3A_939, %get3A_940] : memref<2048x128xf32, #tpu.memory_space<vmem>>, vector<16x128xf32>
      %gt3A_942 = vector.broadcast %get3A_233 : vector<1x128xf32> to vector<16x128xf32>
      %gt3A_943 = arith.cmpf ogt, %get3A_941, %gt3A_942 : vector<16x128xf32>
      %convert_element_type3A_944 = arith.extui %gt3A_943 : vector<16x128xi1> to vector<16x128xi32>
      %add3A_945 = arith.addi %add3A_917, %convert_element_type3A_944 : vector<16x128xi32>
      %get3A_946 = arith.constant 1616 : index
      %get3A_947 = arith.constant 0 : index
      %get3A_948 = vector.load %arg7[%get3A_946, %get3A_947] : memref<2048x128xf32, #tpu.memory_space<vmem>>, vector<16x128xf32>
      %gt3A_949 = vector.broadcast %get3A_233 : vector<1x128xf32> to vector<16x128xf32>
      %gt3A_950 = arith.cmpf ogt, %get3A_948, %gt3A_949 : vector<16x128xf32>
      %convert_element_type3A_951 = arith.extui %gt3A_950 : vector<16x128xi1> to vector<16x128xi32>
      %add3A_952 = arith.addi %add3A_924, %convert_element_type3A_951 : vector<16x128xi32>
      %get3A_953 = arith.constant 1632 : index
      %get3A_954 = arith.constant 0 : index
      %get3A_955 = vector.load %arg7[%get3A_953, %get3A_954] : memref<2048x128xf32, #tpu.memory_space<vmem>>, vector<16x128xf32>
      %gt3A_956 = vector.broadcast %get3A_233 : vector<1x128xf32> to vector<16x128xf32>
      %gt3A_957 = arith.cmpf ogt, %get3A_955, %gt3A_956 : vector<16x128xf32>
      %convert_element_type3A_958 = arith.extui %gt3A_957 : vector<16x128xi1> to vector<16x128xi32>
      %add3A_959 = arith.addi %add3A_931, %convert_element_type3A_958 : vector<16x128xi32>
      %get3A_960 = arith.constant 1648 : index
      %get3A_961 = arith.constant 0 : index
      %get3A_962 = vector.load %arg7[%get3A_960, %get3A_961] : memref<2048x128xf32, #tpu.memory_space<vmem>>, vector<16x128xf32>
      %gt3A_963 = vector.broadcast %get3A_233 : vector<1x128xf32> to vector<16x128xf32>
      %gt3A_964 = arith.cmpf ogt, %get3A_962, %gt3A_963 : vector<16x128xf32>
      %convert_element_type3A_965 = arith.extui %gt3A_964 : vector<16x128xi1> to vector<16x128xi32>
      %add3A_966 = arith.addi %add3A_938, %convert_element_type3A_965 : vector<16x128xi32>
      %get3A_967 = arith.constant 1664 : index
      %get3A_968 = arith.constant 0 : index
      %get3A_969 = vector.load %arg7[%get3A_967, %get3A_968] : memref<2048x128xf32, #tpu.memory_space<vmem>>, vector<16x128xf32>
      %gt3A_970 = vector.broadcast %get3A_233 : vector<1x128xf32> to vector<16x128xf32>
      %gt3A_971 = arith.cmpf ogt, %get3A_969, %gt3A_970 : vector<16x128xf32>
      %convert_element_type3A_972 = arith.extui %gt3A_971 : vector<16x128xi1> to vector<16x128xi32>
      %add3A_973 = arith.addi %add3A_945, %convert_element_type3A_972 : vector<16x128xi32>
      %get3A_974 = arith.constant 1680 : index
      %get3A_975 = arith.constant 0 : index
      %get3A_976 = vector.load %arg7[%get3A_974, %get3A_975] : memref<2048x128xf32, #tpu.memory_space<vmem>>, vector<16x128xf32>
      %gt3A_977 = vector.broadcast %get3A_233 : vector<1x128xf32> to vector<16x128xf32>
      %gt3A_978 = arith.cmpf ogt, %get3A_976, %gt3A_977 : vector<16x128xf32>
      %convert_element_type3A_979 = arith.extui %gt3A_978 : vector<16x128xi1> to vector<16x128xi32>
      %add3A_980 = arith.addi %add3A_952, %convert_element_type3A_979 : vector<16x128xi32>
      %get3A_981 = arith.constant 1696 : index
      %get3A_982 = arith.constant 0 : index
      %get3A_983 = vector.load %arg7[%get3A_981, %get3A_982] : memref<2048x128xf32, #tpu.memory_space<vmem>>, vector<16x128xf32>
      %gt3A_984 = vector.broadcast %get3A_233 : vector<1x128xf32> to vector<16x128xf32>
      %gt3A_985 = arith.cmpf ogt, %get3A_983, %gt3A_984 : vector<16x128xf32>
      %convert_element_type3A_986 = arith.extui %gt3A_985 : vector<16x128xi1> to vector<16x128xi32>
      %add3A_987 = arith.addi %add3A_959, %convert_element_type3A_986 : vector<16x128xi32>
      %get3A_988 = arith.constant 1712 : index
      %get3A_989 = arith.constant 0 : index
      %get3A_990 = vector.load %arg7[%get3A_988, %get3A_989] : memref<2048x128xf32, #tpu.memory_space<vmem>>, vector<16x128xf32>
      %gt3A_991 = vector.broadcast %get3A_233 : vector<1x128xf32> to vector<16x128xf32>
      %gt3A_992 = arith.cmpf ogt, %get3A_990, %gt3A_991 : vector<16x128xf32>
      %convert_element_type3A_993 = arith.extui %gt3A_992 : vector<16x128xi1> to vector<16x128xi32>
      %add3A_994 = arith.addi %add3A_966, %convert_element_type3A_993 : vector<16x128xi32>
      %get3A_995 = arith.constant 1728 : index
      %get3A_996 = arith.constant 0 : index
      %get3A_997 = vector.load %arg7[%get3A_995, %get3A_996] : memref<2048x128xf32, #tpu.memory_space<vmem>>, vector<16x128xf32>
      %gt3A_998 = vector.broadcast %get3A_233 : vector<1x128xf32> to vector<16x128xf32>
      %gt3A_999 = arith.cmpf ogt, %get3A_997, %gt3A_998 : vector<16x128xf32>
      %convert_element_type3A_1000 = arith.extui %gt3A_999 : vector<16x128xi1> to vector<16x128xi32>
      %add3A_1001 = arith.addi %add3A_973, %convert_element_type3A_1000 : vector<16x128xi32>
      %get3A_1002 = arith.constant 1744 : index
      %get3A_1003 = arith.constant 0 : index
      %get3A_1004 = vector.load %arg7[%get3A_1002, %get3A_1003] : memref<2048x128xf32, #tpu.memory_space<vmem>>, vector<16x128xf32>
      %gt3A_1005 = vector.broadcast %get3A_233 : vector<1x128xf32> to vector<16x128xf32>
      %gt3A_1006 = arith.cmpf ogt, %get3A_1004, %gt3A_1005 : vector<16x128xf32>
      %convert_element_type3A_1007 = arith.extui %gt3A_1006 : vector<16x128xi1> to vector<16x128xi32>
      %add3A_1008 = arith.addi %add3A_980, %convert_element_type3A_1007 : vector<16x128xi32>
      %get3A_1009 = arith.constant 1760 : index
      %get3A_1010 = arith.constant 0 : index
      %get3A_1011 = vector.load %arg7[%get3A_1009, %get3A_1010] : memref<2048x128xf32, #tpu.memory_space<vmem>>, vector<16x128xf32>
      %gt3A_1012 = vector.broadcast %get3A_233 : vector<1x128xf32> to vector<16x128xf32>
      %gt3A_1013 = arith.cmpf ogt, %get3A_1011, %gt3A_1012 : vector<16x128xf32>
      %convert_element_type3A_1014 = arith.extui %gt3A_1013 : vector<16x128xi1> to vector<16x128xi32>
      %add3A_1015 = arith.addi %add3A_987, %convert_element_type3A_1014 : vector<16x128xi32>
      %get3A_1016 = arith.constant 1776 : index
      %get3A_1017 = arith.constant 0 : index
      %get3A_1018 = vector.load %arg7[%get3A_1016, %get3A_1017] : memref<2048x128xf32, #tpu.memory_space<vmem>>, vector<16x128xf32>
      %gt3A_1019 = vector.broadcast %get3A_233 : vector<1x128xf32> to vector<16x128xf32>
      %gt3A_1020 = arith.cmpf ogt, %get3A_1018, %gt3A_1019 : vector<16x128xf32>
      %convert_element_type3A_1021 = arith.extui %gt3A_1020 : vector<16x128xi1> to vector<16x128xi32>
      %add3A_1022 = arith.addi %add3A_994, %convert_element_type3A_1021 : vector<16x128xi32>
      %get3A_1023 = arith.constant 1792 : index
      %get3A_1024 = arith.constant 0 : index
      %get3A_1025 = vector.load %arg7[%get3A_1023, %get3A_1024] : memref<2048x128xf32, #tpu.memory_space<vmem>>, vector<16x128xf32>
      %gt3A_1026 = vector.broadcast %get3A_233 : vector<1x128xf32> to vector<16x128xf32>
      %gt3A_1027 = arith.cmpf ogt, %get3A_1025, %gt3A_1026 : vector<16x128xf32>
      %convert_element_type3A_1028 = arith.extui %gt3A_1027 : vector<16x128xi1> to vector<16x128xi32>
      %add3A_1029 = arith.addi %add3A_1001, %convert_element_type3A_1028 : vector<16x128xi32>
      %get3A_1030 = arith.constant 1808 : index
      %get3A_1031 = arith.constant 0 : index
      %get3A_1032 = vector.load %arg7[%get3A_1030, %get3A_1031] : memref<2048x128xf32, #tpu.memory_space<vmem>>, vector<16x128xf32>
      %gt3A_1033 = vector.broadcast %get3A_233 : vector<1x128xf32> to vector<16x128xf32>
      %gt3A_1034 = arith.cmpf ogt, %get3A_1032, %gt3A_1033 : vector<16x128xf32>
      %convert_element_type3A_1035 = arith.extui %gt3A_1034 : vector<16x128xi1> to vector<16x128xi32>
      %add3A_1036 = arith.addi %add3A_1008, %convert_element_type3A_1035 : vector<16x128xi32>
      %get3A_1037 = arith.constant 1824 : index
      %get3A_1038 = arith.constant 0 : index
      %get3A_1039 = vector.load %arg7[%get3A_1037, %get3A_1038] : memref<2048x128xf32, #tpu.memory_space<vmem>>, vector<16x128xf32>
      %gt3A_1040 = vector.broadcast %get3A_233 : vector<1x128xf32> to vector<16x128xf32>
      %gt3A_1041 = arith.cmpf ogt, %get3A_1039, %gt3A_1040 : vector<16x128xf32>
      %convert_element_type3A_1042 = arith.extui %gt3A_1041 : vector<16x128xi1> to vector<16x128xi32>
      %add3A_1043 = arith.addi %add3A_1015, %convert_element_type3A_1042 : vector<16x128xi32>
      %get3A_1044 = arith.constant 1840 : index
      %get3A_1045 = arith.constant 0 : index
      %get3A_1046 = vector.load %arg7[%get3A_1044, %get3A_1045] : memref<2048x128xf32, #tpu.memory_space<vmem>>, vector<16x128xf32>
      %gt3A_1047 = vector.broadcast %get3A_233 : vector<1x128xf32> to vector<16x128xf32>
      %gt3A_1048 = arith.cmpf ogt, %get3A_1046, %gt3A_1047 : vector<16x128xf32>
      %convert_element_type3A_1049 = arith.extui %gt3A_1048 : vector<16x128xi1> to vector<16x128xi32>
      %add3A_1050 = arith.addi %add3A_1022, %convert_element_type3A_1049 : vector<16x128xi32>
      %get3A_1051 = arith.constant 1856 : index
      %get3A_1052 = arith.constant 0 : index
      %get3A_1053 = vector.load %arg7[%get3A_1051, %get3A_1052] : memref<2048x128xf32, #tpu.memory_space<vmem>>, vector<16x128xf32>
      %gt3A_1054 = vector.broadcast %get3A_233 : vector<1x128xf32> to vector<16x128xf32>
      %gt3A_1055 = arith.cmpf ogt, %get3A_1053, %gt3A_1054 : vector<16x128xf32>
      %convert_element_type3A_1056 = arith.extui %gt3A_1055 : vector<16x128xi1> to vector<16x128xi32>
      %add3A_1057 = arith.addi %add3A_1029, %convert_element_type3A_1056 : vector<16x128xi32>
      %get3A_1058 = arith.constant 1872 : index
      %get3A_1059 = arith.constant 0 : index
      %get3A_1060 = vector.load %arg7[%get3A_1058, %get3A_1059] : memref<2048x128xf32, #tpu.memory_space<vmem>>, vector<16x128xf32>
      %gt3A_1061 = vector.broadcast %get3A_233 : vector<1x128xf32> to vector<16x128xf32>
      %gt3A_1062 = arith.cmpf ogt, %get3A_1060, %gt3A_1061 : vector<16x128xf32>
      %convert_element_type3A_1063 = arith.extui %gt3A_1062 : vector<16x128xi1> to vector<16x128xi32>
      %add3A_1064 = arith.addi %add3A_1036, %convert_element_type3A_1063 : vector<16x128xi32>
      %get3A_1065 = arith.constant 1888 : index
      %get3A_1066 = arith.constant 0 : index
      %get3A_1067 = vector.load %arg7[%get3A_1065, %get3A_1066] : memref<2048x128xf32, #tpu.memory_space<vmem>>, vector<16x128xf32>
      %gt3A_1068 = vector.broadcast %get3A_233 : vector<1x128xf32> to vector<16x128xf32>
      %gt3A_1069 = arith.cmpf ogt, %get3A_1067, %gt3A_1068 : vector<16x128xf32>
      %convert_element_type3A_1070 = arith.extui %gt3A_1069 : vector<16x128xi1> to vector<16x128xi32>
      %add3A_1071 = arith.addi %add3A_1043, %convert_element_type3A_1070 : vector<16x128xi32>
      %get3A_1072 = arith.constant 1904 : index
      %get3A_1073 = arith.constant 0 : index
      %get3A_1074 = vector.load %arg7[%get3A_1072, %get3A_1073] : memref<2048x128xf32, #tpu.memory_space<vmem>>, vector<16x128xf32>
      %gt3A_1075 = vector.broadcast %get3A_233 : vector<1x128xf32> to vector<16x128xf32>
      %gt3A_1076 = arith.cmpf ogt, %get3A_1074, %gt3A_1075 : vector<16x128xf32>
      %convert_element_type3A_1077 = arith.extui %gt3A_1076 : vector<16x128xi1> to vector<16x128xi32>
      %add3A_1078 = arith.addi %add3A_1050, %convert_element_type3A_1077 : vector<16x128xi32>
      %get3A_1079 = arith.constant 1920 : index
      %get3A_1080 = arith.constant 0 : index
      %get3A_1081 = vector.load %arg7[%get3A_1079, %get3A_1080] : memref<2048x128xf32, #tpu.memory_space<vmem>>, vector<16x128xf32>
      %gt3A_1082 = vector.broadcast %get3A_233 : vector<1x128xf32> to vector<16x128xf32>
      %gt3A_1083 = arith.cmpf ogt, %get3A_1081, %gt3A_1082 : vector<16x128xf32>
      %convert_element_type3A_1084 = arith.extui %gt3A_1083 : vector<16x128xi1> to vector<16x128xi32>
      %add3A_1085 = arith.addi %add3A_1057, %convert_element_type3A_1084 : vector<16x128xi32>
      %get3A_1086 = arith.constant 1936 : index
      %get3A_1087 = arith.constant 0 : index
      %get3A_1088 = vector.load %arg7[%get3A_1086, %get3A_1087] : memref<2048x128xf32, #tpu.memory_space<vmem>>, vector<16x128xf32>
      %gt3A_1089 = vector.broadcast %get3A_233 : vector<1x128xf32> to vector<16x128xf32>
      %gt3A_1090 = arith.cmpf ogt, %get3A_1088, %gt3A_1089 : vector<16x128xf32>
      %convert_element_type3A_1091 = arith.extui %gt3A_1090 : vector<16x128xi1> to vector<16x128xi32>
      %add3A_1092 = arith.addi %add3A_1064, %convert_element_type3A_1091 : vector<16x128xi32>
      %get3A_1093 = arith.constant 1952 : index
      %get3A_1094 = arith.constant 0 : index
      %get3A_1095 = vector.load %arg7[%get3A_1093, %get3A_1094] : memref<2048x128xf32, #tpu.memory_space<vmem>>, vector<16x128xf32>
      %gt3A_1096 = vector.broadcast %get3A_233 : vector<1x128xf32> to vector<16x128xf32>
      %gt3A_1097 = arith.cmpf ogt, %get3A_1095, %gt3A_1096 : vector<16x128xf32>
      %convert_element_type3A_1098 = arith.extui %gt3A_1097 : vector<16x128xi1> to vector<16x128xi32>
      %add3A_1099 = arith.addi %add3A_1071, %convert_element_type3A_1098 : vector<16x128xi32>
      %get3A_1100 = arith.constant 1968 : index
      %get3A_1101 = arith.constant 0 : index
      %get3A_1102 = vector.load %arg7[%get3A_1100, %get3A_1101] : memref<2048x128xf32, #tpu.memory_space<vmem>>, vector<16x128xf32>
      %gt3A_1103 = vector.broadcast %get3A_233 : vector<1x128xf32> to vector<16x128xf32>
      %gt3A_1104 = arith.cmpf ogt, %get3A_1102, %gt3A_1103 : vector<16x128xf32>
      %convert_element_type3A_1105 = arith.extui %gt3A_1104 : vector<16x128xi1> to vector<16x128xi32>
      %add3A_1106 = arith.addi %add3A_1078, %convert_element_type3A_1105 : vector<16x128xi32>
      %get3A_1107 = arith.constant 1984 : index
      %get3A_1108 = arith.constant 0 : index
      %get3A_1109 = vector.load %arg7[%get3A_1107, %get3A_1108] : memref<2048x128xf32, #tpu.memory_space<vmem>>, vector<16x128xf32>
      %gt3A_1110 = vector.broadcast %get3A_233 : vector<1x128xf32> to vector<16x128xf32>
      %gt3A_1111 = arith.cmpf ogt, %get3A_1109, %gt3A_1110 : vector<16x128xf32>
      %convert_element_type3A_1112 = arith.extui %gt3A_1111 : vector<16x128xi1> to vector<16x128xi32>
      %add3A_1113 = arith.addi %add3A_1085, %convert_element_type3A_1112 : vector<16x128xi32>
      %get3A_1114 = arith.constant 2000 : index
      %get3A_1115 = arith.constant 0 : index
      %get3A_1116 = vector.load %arg7[%get3A_1114, %get3A_1115] : memref<2048x128xf32, #tpu.memory_space<vmem>>, vector<16x128xf32>
      %gt3A_1117 = vector.broadcast %get3A_233 : vector<1x128xf32> to vector<16x128xf32>
      %gt3A_1118 = arith.cmpf ogt, %get3A_1116, %gt3A_1117 : vector<16x128xf32>
      %convert_element_type3A_1119 = arith.extui %gt3A_1118 : vector<16x128xi1> to vector<16x128xi32>
      %add3A_1120 = arith.addi %add3A_1092, %convert_element_type3A_1119 : vector<16x128xi32>
      %get3A_1121 = arith.constant 2016 : index
      %get3A_1122 = arith.constant 0 : index
      %get3A_1123 = vector.load %arg7[%get3A_1121, %get3A_1122] : memref<2048x128xf32, #tpu.memory_space<vmem>>, vector<16x128xf32>
      %gt3A_1124 = vector.broadcast %get3A_233 : vector<1x128xf32> to vector<16x128xf32>
      %gt3A_1125 = arith.cmpf ogt, %get3A_1123, %gt3A_1124 : vector<16x128xf32>
      %convert_element_type3A_1126 = arith.extui %gt3A_1125 : vector<16x128xi1> to vector<16x128xi32>
      %add3A_1127 = arith.addi %add3A_1099, %convert_element_type3A_1126 : vector<16x128xi32>
      %get3A_1128 = arith.constant 2032 : index
      %get3A_1129 = arith.constant 0 : index
      %get3A_1130 = vector.load %arg7[%get3A_1128, %get3A_1129] : memref<2048x128xf32, #tpu.memory_space<vmem>>, vector<16x128xf32>
      %gt3A_1131 = vector.broadcast %get3A_233 : vector<1x128xf32> to vector<16x128xf32>
      %gt3A_1132 = arith.cmpf ogt, %get3A_1130, %gt3A_1131 : vector<16x128xf32>
      %convert_element_type3A_1133 = arith.extui %gt3A_1132 : vector<16x128xi1> to vector<16x128xi32>
      %add3A_1134 = arith.addi %add3A_1106, %convert_element_type3A_1133 : vector<16x128xi32>
      %add3A_1135 = arith.addi %add3A_1113, %add3A_1120 : vector<16x128xi32>
      %add3A_1136 = arith.addi %add3A_1135, %add3A_1127 : vector<16x128xi32>
      %add3A_1137 = arith.addi %add3A_1136, %add3A_1134 : vector<16x128xi32>
      %reduce_sum3A = arith.constant dense<0> : vector<128xi32>
      %reduce_sum3A_1138 = vector.multi_reduction <add>, %add3A_1137, %reduce_sum3A [0] : vector<16x128xi32> to vector<128xi32>
      %broadcast_in_dim3A_1139 = vector.shape_cast %reduce_sum3A_1138 : vector<128xi32> to vector<1x128xi32>
      %swap3A_1140 = arith.index_cast %scan3A_228 : i32 to index
      %swap3A_1141 = arith.constant 0 : index
      %swap3A_1142 = arith.constant 0 : index
      %swap3A_1143 = vector.load %arg9[%swap3A_1140, %swap3A_1141, %swap3A_1142] : memref<16x1x128xi32, #tpu.memory_space<vmem>>, vector<1x1x128xi32>
      %swap3A_1144 = vector.shape_cast %swap3A_1143 : vector<1x1x128xi32> to vector<1x128xi32>
      %swap3A_1145 = vector.shape_cast %broadcast_in_dim3A_1139 : vector<1x128xi32> to vector<1x1x128xi32>
      tpu.vector_store %arg9[%swap3A_1140, %swap3A_1141, %swap3A_1142], %swap3A_1145 {strides = array<i32>} : memref<16x1x128xi32, #tpu.memory_space<vmem>>, vector<1x1x128xi32>,
    }
    %scan3A_141 = arith.constant 16 : i32
    %get3A_142 = arith.constant 0 : index
    %get3A_143 = arith.constant 0 : index
    %get3A_144 = arith.constant 0 : index
    %get3A_145 = vector.load %arg9[%get3A_142, %get3A_143, %get3A_144] : memref<16x1x128xi32, #tpu.memory_space<vmem>>, vector<1x1x128xi32>
    %get3A_146 = vector.shape_cast %get3A_145 : vector<1x1x128xi32> to vector<1x128xi32>
    %get3A_147 = arith.constant 1 : index
    %get3A_148 = arith.constant 0 : index
    %get3A_149 = arith.constant 0 : index
    %get3A_150 = vector.load %arg9[%get3A_147, %get3A_148, %get3A_149] : memref<16x1x128xi32, #tpu.memory_space<vmem>>, vector<1x1x128xi32>
    %get3A_151 = vector.shape_cast %get3A_150 : vector<1x1x128xi32> to vector<1x128xi32>
    %get3A_152 = arith.constant 2 : index
    %get3A_153 = arith.constant 0 : index
    %get3A_154 = arith.constant 0 : index
    %get3A_155 = vector.load %arg9[%get3A_152, %get3A_153, %get3A_154] : memref<16x1x128xi32, #tpu.memory_space<vmem>>, vector<1x1x128xi32>
    %get3A_156 = vector.shape_cast %get3A_155 : vector<1x1x128xi32> to vector<1x128xi32>
    %get3A_157 = arith.constant 3 : index
    %get3A_158 = arith.constant 0 : index
    %get3A_159 = arith.constant 0 : index
    %get3A_160 = vector.load %arg9[%get3A_157, %get3A_158, %get3A_159] : memref<16x1x128xi32, #tpu.memory_space<vmem>>, vector<1x1x128xi32>
    %get3A_161 = vector.shape_cast %get3A_160 : vector<1x1x128xi32> to vector<1x128xi32>
    %get3A_162 = arith.constant 4 : index
    %get3A_163 = arith.constant 0 : index
    %get3A_164 = arith.constant 0 : index
    %get3A_165 = vector.load %arg9[%get3A_162, %get3A_163, %get3A_164] : memref<16x1x128xi32, #tpu.memory_space<vmem>>, vector<1x1x128xi32>
    %get3A_166 = vector.shape_cast %get3A_165 : vector<1x1x128xi32> to vector<1x128xi32>
    %get3A_167 = arith.constant 5 : index
    %get3A_168 = arith.constant 0 : index
    %get3A_169 = arith.constant 0 : index
    %get3A_170 = vector.load %arg9[%get3A_167, %get3A_168, %get3A_169] : memref<16x1x128xi32, #tpu.memory_space<vmem>>, vector<1x1x128xi32>
    %get3A_171 = vector.shape_cast %get3A_170 : vector<1x1x128xi32> to vector<1x128xi32>
    %get3A_172 = arith.constant 6 : index
    %get3A_173 = arith.constant 0 : index
    %get3A_174 = arith.constant 0 : index
    %get3A_175 = vector.load %arg9[%get3A_172, %get3A_173, %get3A_174] : memref<16x1x128xi32, #tpu.memory_space<vmem>>, vector<1x1x128xi32>
    %get3A_176 = vector.shape_cast %get3A_175 : vector<1x1x128xi32> to vector<1x128xi32>
    %get3A_177 = arith.constant 7 : index
    %get3A_178 = arith.constant 0 : index
    %get3A_179 = arith.constant 0 : index
    %get3A_180 = vector.load %arg9[%get3A_177, %get3A_178, %get3A_179] : memref<16x1x128xi32, #tpu.memory_space<vmem>>, vector<1x1x128xi32>
    %get3A_181 = vector.shape_cast %get3A_180 : vector<1x1x128xi32> to vector<1x128xi32>
    %get3A_182 = arith.constant 8 : index
    %get3A_183 = arith.constant 0 : index
    %get3A_184 = arith.constant 0 : index
    %get3A_185 = vector.load %arg9[%get3A_182, %get3A_183, %get3A_184] : memref<16x1x128xi32, #tpu.memory_space<vmem>>, vector<1x1x128xi32>
    %get3A_186 = vector.shape_cast %get3A_185 : vector<1x1x128xi32> to vector<1x128xi32>
    %get3A_187 = arith.constant 9 : index
    %get3A_188 = arith.constant 0 : index
    %get3A_189 = arith.constant 0 : index
    %get3A_190 = vector.load %arg9[%get3A_187, %get3A_188, %get3A_189] : memref<16x1x128xi32, #tpu.memory_space<vmem>>, vector<1x1x128xi32>
    %get3A_191 = vector.shape_cast %get3A_190 : vector<1x1x128xi32> to vector<1x128xi32>
    %get3A_192 = arith.constant 10 : index
    %get3A_193 = arith.constant 0 : index
    %get3A_194 = arith.constant 0 : index
    %get3A_195 = vector.load %arg9[%get3A_192, %get3A_193, %get3A_194] : memref<16x1x128xi32, #tpu.memory_space<vmem>>, vector<1x1x128xi32>
    %get3A_196 = vector.shape_cast %get3A_195 : vector<1x1x128xi32> to vector<1x128xi32>
    %get3A_197 = arith.constant 11 : index
    %get3A_198 = arith.constant 0 : index
    %get3A_199 = arith.constant 0 : index
    %get3A_200 = vector.load %arg9[%get3A_197, %get3A_198, %get3A_199] : memref<16x1x128xi32, #tpu.memory_space<vmem>>, vector<1x1x128xi32>
    %get3A_201 = vector.shape_cast %get3A_200 : vector<1x1x128xi32> to vector<1x128xi32>
    %get3A_202 = arith.constant 12 : index
    %get3A_203 = arith.constant 0 : index
    %get3A_204 = arith.constant 0 : index
    %get3A_205 = vector.load %arg9[%get3A_202, %get3A_203, %get3A_204] : memref<16x1x128xi32, #tpu.memory_space<vmem>>, vector<1x1x128xi32>
    %get3A_206 = vector.shape_cast %get3A_205 : vector<1x1x128xi32> to vector<1x128xi32>
    %get3A_207 = arith.constant 13 : index
    %get3A_208 = arith.constant 0 : index
    %get3A_209 = arith.constant 0 : index
    %get3A_210 = vector.load %arg9[%get3A_207, %get3A_208, %get3A_209] : memref<16x1x128xi32, #tpu.memory_space<vmem>>, vector<1x1x128xi32>
    %get3A_211 = vector.shape_cast %get3A_210 : vector<1x1x128xi32> to vector<1x128xi32>
    %get3A_212 = arith.constant 14 : index
    %get3A_213 = arith.constant 0 : index
    %get3A_214 = arith.constant 0 : index
    %get3A_215 = vector.load %arg9[%get3A_212, %get3A_213, %get3A_214] : memref<16x1x128xi32, #tpu.memory_space<vmem>>, vector<1x1x128xi32>
    %get3A_216 = vector.shape_cast %get3A_215 : vector<1x1x128xi32> to vector<1x128xi32>
    %get3A_217 = arith.constant 15 : index
    %get3A_218 = arith.constant 0 : index
    %get3A_219 = arith.constant 0 : index
    %get3A_220 = vector.load %arg9[%get3A_217, %get3A_218, %get3A_219] : memref<16x1x128xi32, #tpu.memory_space<vmem>>, vector<1x1x128xi32>
    %get3A_221 = vector.shape_cast %get3A_220 : vector<1x1x128xi32> to vector<1x128xi32>
    %concatenate3A = tpu.concatenate %get3A_146, %get3A_151, %get3A_156, %get3A_161, %get3A_166, %get3A_171, %get3A_176, %get3A_181, %get3A_186, %get3A_191, %get3A_196, %get3A_201, %get3A_206, %get3A_211, %get3A_216, %get3A_221 in 1 : vector<1x128xi32>, vector<1x128xi32>, vector<1x128xi32>, vector<1x128xi32>, vector<1x128xi32>, vector<1x128xi32>, vector<1x128xi32>, vector<1x128xi32>, vector<1x128xi32>, vector<1x128xi32>, vector<1x128xi32>, vector<1x128xi32>, vector<1x128xi32>, vector<1x128xi32>, vector<1x128xi32>, vector<1x128xi32> -> vector<1x2048xi32>
    %swap3A_222 = arith.constant 0 : index
    %swap3A_223 = arith.constant 0 : index
    %swap3A_224 = arith.constant 0 : index
    %swap3A_225 = vector.load %arg6[%swap3A_222, %swap3A_223, %swap3A_224] : memref<1x1x2048xi32, #tpu.memory_space<vmem>>, vector<1x1x2048xi32>
    %swap3A_226 = vector.shape_cast %swap3A_225 : vector<1x1x2048xi32> to vector<1x2048xi32>
    %swap3A_227 = vector.shape_cast %concatenate3A : vector<1x2048xi32> to vector<1x1x2048xi32>
    tpu.vector_store %arg6[%swap3A_222, %swap3A_223, %swap3A_224], %swap3A_227 {strides = array<i32>} : memref<1x1x2048xi32, #tpu.memory_space<vmem>>, vector<1x1x2048xi32>,
    return
  }
  func.func @transform_0(%arg0: i32) -> (i32, i32, i32) {
    %c0_i32 = arith.constant 0 : i32
    %c0_i32_0 = arith.constant 0 : i32
    %c0_i32_1 = arith.constant 0 : i32
    return %arg0, %c0_i32, %c0_i32_0 : i32, i32, i32
  }
  func.func @transform_1(%arg0: i32) -> (i32, i32) {
    %c0_i32 = arith.constant 0 : i32
    %c0_i32_0 = arith.constant 0 : i32
    %c0_i32_1 = arith.constant 0 : i32
    return %c0_i32, %c0_i32_0 : i32, i32
  }
  func.func @transform_2(%arg0: i32) -> (i32, i32) {
    %c0_i32 = arith.constant 0 : i32
    %c0_i32_0 = arith.constant 0 : i32
    %c0_i32_1 = arith.constant 0 : i32
    return %c0_i32, %c0_i32_0 : i32, i32
  }
  func.func @transform_3(%arg0: i32) -> (i32, i32) {
    %c0_i32 = arith.constant 0 : i32
    %c0_i32_0 = arith.constant 0 : i32
    %c0_i32_1 = arith.constant 0 : i32
    return %c0_i32, %c0_i32_0 : i32, i32
  }
  func.func @transform_4(%arg0: i32) -> (i32, i32, i32) {
    %c0_i32 = arith.constant 0 : i32
    %c0_i32_0 = arith.constant 0 : i32
    %c0_i32_1 = arith.constant 0 : i32
    return %arg0, %c0_i32, %c0_i32_0 : i32, i32, i32
  }
  func.func @transform_5(%arg0: i32) -> (i32, i32, i32) {
    %c0_i32 = arith.constant 0 : i32
    %c0_i32_0 = arith.constant 0 : i32
    %c0_i32_1 = arith.constant 0 : i32
    return %arg0, %c0_i32, %c0_i32_0 : i32, i32, i32
  }
}

</mosaic_0001>

<sc_bundles>
// kernel: kernel.5.cloned.1.call-start
scs
__scs_entry_jumppad:
0x0: {  	(pc) =	sbr.rel $0x88, $3  }
0x1: {  	(tag) =	ssettag $0x0;
	lr =	simm.s32 $0x1  }
0x2: {  	[smem:$0x3F9E] =	sst lr;
	_ =	strace $0xD0000000  }
0x3: {  	_ = 	snop  }
0x4: {  	_ = 	snop  }
0x5: {  	_ = 	snop  }
0x6: {  	_ = 	snop  }
0x7: {  	_ = 	snop  }
__scs_overlays_trampoline_lowered:
0x8: {  	[smem:$0x3FAD] =	sst s0  }
0x9: {  	[smem:$0x3FAE] =	sst s1  }
0xa: {  	[smem:$0x3FAF] =	sst s2  }
0xb: {  	[smem:$0x3FB0] =	sst s3  }
0xc: {  	[smem:$0x3FB1] =	sst s4  }
0xd: {  	[smem:$0x3FB2] =	sst s5  }
0xe: {  	[smem:$0x3FB3] =	sst s6  }
0xf: {  	[smem:$0x3FB4] =	sst s7  }
0x10: {  	[smem:$0x3FB5] =	sst s8  }
0x11: {  	[smem:$0x3FB6] =	sst s9;
	s0 =	simm.s32 @!p0 $0x0  }
0x12: {  	s1 =	sld [smem:$0x3F9C];
	s0 =	simm.s32 @p0 $0x1  }
0x13: {  	[smem:$0x3FB7] =	sst s0;
	s0 =	simm.s32 @!p1 $0x0  }
0x14: {  	s2 =	sld [smem:$0x3F9B];
	s0 =	simm.s32 @p1 $0x1  }
0x15: {  	[smem:$0x3FB8] =	sst s0;
	s0 =	simm.s32 @!p2 $0x0  }
0x16: {  	s3 =	sld [smem:$0x3FDB];
	s0 =	simm.s32 @p2 $0x1  }
0x17: {  	s4 =	simm.s32 $0x1BF5;
	[smem:$0x3FBA] =	sst s0  }
0x18: {  	s0 =	sld [smem:$0x3F9D];
	_ =	swait.ge [sflag:s4], $0x0  }
0x19: {  	s7 =	sld [smem:$0x3F9E]  }
0x1a: {  	s8 =	sadd.s32 $0xFFFFE003, lr  }
0x1b: {  	s9 =	sadd.s32 $0xFFFFFEF7, lr;
	s5 =	simm.s32 $0xFFFFFFFF;
	p2 =	slt.u32 s8, $0xFFFFF086  }
0x1c: {  	p1 =	slt.u32 s9, $0xF7A;
	s5 =	simm.s32 @!p2 $0x0  }
0x1d: {  	s5 =	simm.s32 @p1 $0x1;
	p0 =	seq.s32 s7, s2  }
0x1e: {  	s7 =	smul.u32 @!p0 $0xF7A, s2;
	p2 =	seq.s32 @!p0 s5, $0x0  }
0x1f: {  	s9 =	smul.u32 $0xF7A, s1;
	s8 =	simm.s32 @!p0 $0x1BF5;
	p2 =	por !p2, p0  }
0x20: {  	[sflag:s8] =	ssyncset.s32 @!p0 $0xFFFFF086;
	s6 =	sadd.s32 @!p0 s3, s7;
	s7 =	simm.s32 @!p0 $0x108  }
0x21: {  	s3 =	sadd.s32 s3, s9;
	s6 =	sadd.s32 @!p0 $0x88, s6;
	s7 =	simm.s32 @p2 $0x1082  }
0x22: {  	[simem:s7], [sflag:s8] =	dma.local @!p0 [hbm:s6], $0xF7A  }
0x23: {  	s9 =	sor.u32 $0xD0000000, s2;
	s6 =	simm.s32 $0x108;
	_ =	swait.ge @!p0 [sflag:s8], $0x0  }
0x24: {  	s3 =	sadd.s32 $0x88, s3;
	s6 =	simm.s32 @!p1 $0x1082;
	[sflag:s4] =	ssyncset.s32 $0xFFFFF086  }
0x25: {  	[simem:s6], [sflag:s4] =	dma.local [hbm:s3], $0xF7A  }
0x26: {  	[smem:$0x3F9E] =	sst s1;
	(tag) =	ssettag s2;
	_ =	strace s9  }
0x27: {  	s1 =	sld [smem:$0x3FAE]  }
0x28: {  	s2 =	sld [smem:$0x3FAF]  }
0x29: {  	s4 =	sld [smem:$0x3FB1]  }
0x2a: {  	p0 =	seq.s32 s5, $0x0;
	s5 =	sld [smem:$0x3FB2]  }
0x2b: {  	s6 =	sld [smem:$0x3FB3]  }
0x2c: {  	s7 =	sld [smem:$0x3FB4]  }
0x2d: {  	s3 =	simm.s32 $0x108;
	s8 =	sld [smem:$0x3FB5]  }
0x2e: {  	s3 =	simm.s32 @!p0 $0x1082;
	s9 =	sld [smem:$0x3FB6]  }
0x2f: {  	lr =	sadd.s32 s0, s3;
	s0 =	sld [smem:$0x3FAD]  }
0x30: {  	s3 =	sld [smem:$0x3FB0]  }
0x31: {  	[smem:$0x3FB9] =	sst s10  }
0x32: {  	s10 =	sld [smem:$0x3FB7];
	_ =	sdelay $0x3  }
0x33: {  	p0 =	seq.s32 s10, $0x1;
	s10 =	sld [smem:$0x3FB9];
	_ =	sdelay $0x3  }
0x34: {  	[smem:$0x3FB9] =	sst s10  }
0x35: {  	s10 =	sld [smem:$0x3FB8];
	_ =	sdelay $0x3  }
0x36: {  	p1 =	seq.s32 s10, $0x1;
	s10 =	sld [smem:$0x3FB9];
	_ =	sdelay $0x3  }
0x37: {  	[smem:$0x3FB9] =	sst s10  }
0x38: {  	s10 =	sld [smem:$0x3FBA]  }
0x39: {  	_ = 	snop;
	(pc) =	sbr.ind lr, $3  }
0x3a: {  	_ = 	snop  }
0x3b: {  	_ = 	snop  }
0x3c: {  	p2 =	seq.s32 s10, $0x1;
	s10 =	sld [smem:$0x3FB9]  }
0x3d: {  	_ =	shalt  }
0x3e: {  	_ =	shalt  }
0x3f: {  	_ =	shalt  }
0x40: {  	_ =	shalt  }
0x41: {  	_ =	shalt  }
0x42: {  	_ =	shalt  }
0x43: {  	_ =	shalt  }
0x44: {  	_ =	shalt  }
0x45: {  	_ =	shalt  }
0x46: {  	_ =	shalt  }
0x47: {  	_ =	shalt  }
0x48: {  	_ =	shalt  }
0x49: {  	_ =	shalt  }
0x4a: {  	_ =	shalt  }
0x4b: {  	_ =	shalt  }
0x4c: {  	_ =	shalt  }
0x4d: {  	_ =	shalt  }
0x4e: {  	_ =	shalt  }
0x4f: {  	_ =	shalt  }
0x50: {  	_ =	shalt  }
0x51: {  	_ =	shalt  }
0x52: {  	_ =	shalt  }
0x53: {  	_ =	shalt  }
0x54: {  	_ =	shalt  }
0x55: {  	_ =	shalt  }
0x56: {  	_ =	shalt  }
0x57: {  	_ =	shalt  }
0x58: {  	_ =	shalt  }
0x59: {  	_ =	shalt  }
0x5a: {  	_ =	shalt  }
0x5b: {  	_ =	shalt  }
0x5c: {  	_ =	shalt  }
0x5d: {  	_ =	shalt  }
0x5e: {  	_ =	shalt  }
0x5f: {  	_ =	shalt  }
0x60: {  	_ =	shalt  }
0x61: {  	_ =	shalt  }
0x62: {  	_ =	shalt  }
0x63: {  	_ =	shalt  }
0x64: {  	_ =	shalt  }
0x65: {  	_ =	shalt  }
0x66: {  	_ =	shalt  }
0x67: {  	_ =	shalt  }
0x68: {  	_ =	shalt  }
0x69: {  	_ =	shalt  }
0x6a: {  	_ =	shalt  }
0x6b: {  	_ =	shalt  }
0x6c: {  	_ =	shalt  }
0x6d: {  	_ =	shalt  }
0x6e: {  	_ =	shalt  }
0x6f: {  	_ =	shalt  }
0x70: {  	_ =	shalt  }
0x71: {  	_ =	shalt  }
0x72: {  	_ =	shalt  }
0x73: {  	_ =	shalt  }
0x74: {  	_ =	shalt  }
0x75: {  	_ =	shalt  }
0x76: {  	_ =	shalt  }
0x77: {  	_ =	shalt  }
0x78: {  	_ =	shalt  }
0x79: {  	_ =	shalt  }
0x7a: {  	_ =	shalt  }
0x7b: {  	_ =	shalt  }
0x7c: {  	_ =	shalt  }
0x7d: {  	_ =	shalt  }
0x7e: {  	_ =	shalt  }
0x7f: {  	_ =	shalt  }
0x80: {  	_ =	shalt  }
0x81: {  	_ =	shalt  }
0x82: {  	_ =	shalt  }
0x83: {  	_ =	shalt  }
0x84: {  	_ =	shalt  }
0x85: {  	_ =	shalt  }
0x86: {  	_ =	shalt  }
0x87: {  	_ =	shalt  }
.Lfunc_end0:
.L_simem_size_0:
called_computation_lowered:
.L_overlay_start_0:
0x88: {  	s2 =	sld [smem:$0x3FD9]  }
0x89: {  	s3 =	sld [smem:$0x3FFE];
	_ =	sdelay $0x1  }
0x8a: {  	s1 =	srdreg.scid  }
0x8b: {  	s0 =	sand.u32 $0x1, s1  }
0x8c: {  	s14 =	sshll.u32 s0, $0xA;
	s2 =	sadd.s32 s3, s2  }
0x8d: {  	s2 =	sadd.s32 s2, s14  }
0x8e: {  	[smem:$0x3FC5] =	sst s2  }
0x8f: {  	_ = 	snop  }
0x90: {  	s2 =	sld [smem:$0x3FD0];
	_ =	sdelay $0x2  }
0x91: {  	s15 =	simm.s32 $0xA;
	s4 =	simm.s32 $0x10  }
0x92: {  	[smem:s4], [sflag:s15] =	dma.local [hbm:s2], $0x1  }
0x93: {  	_ =	swait.eq [sflag:s15], $0x1  }
0x94: {  	[sflag:s15] =	ssyncset.done $0x0  }
0x95: {  	s16 =	sld [smem:$0x10];
	[sflag:s15] =	ssyncadd.s32 $0xFFFFFFFF  }
0x96: {  	s17 =	sld [smem:$0x11];
	(tm) =	ssettm $0x1  }
0x97: {  	s18 =	sld [smem:$0x3FFB];
	_ =	sdelay $0x3  }
0x98: {  	_ =	strace s18  }
0x99: {  	s4 =	sld [smem:$0x3FFC];
	_ =	sdelay $0x3  }
0x9a: {  	_ =	strace s4  }
0x9b: {  	s4 =	sld [smem:$0x3FFD];
	_ =	sdelay $0x3  }
0x9c: {  	_ =	strace s4  }
0x9d: {  	_ =	strace $0x8FFFFFFF  }
0x9e: {  	s19 =	sld [smem:$0x3FDB];
	_ =	sdelay $0x1  }
0x9f: {  	s5 =	simm.s32 $_scs_section_size  }
0xa0: {  	s6 =	simm.s32 $_size__tile_overlayer_lowered;
	s7 =	simm.s32 $_tile_overlayer_lowered  }
0xa1: {  	s22 =	simm.s32 $0x1BFF;
	s21 =	sshll.u32 s7, $0x1;
	s4 =	sadd.s32 s5, s19  }
0xa2: {  	s8 =	simm.s32 $0x0;
	s20 =	sshll.u32 s6, $0x1;
	s6 =	sadd.s32 s21, s4  }
0xa3: {  	[timem:s8], [sflag:s22] =	dma.local [hbm:s6], s20  }
0xa4: {  	_ =	swait.ge [sflag:s22], s20  }
0xa5: {  	s5 =	ssub.s32 $0x0, s20;
	[sflag:s22] =	ssyncset.done $0x0  }
0xa6: {  	[sflag:s22] =	ssyncadd.s32 s5;
	_ =	sdelay $0x1  }
0xa7: {  	s23 =	simm.s32 $0x1B8B  }
0xa8: {  	_ =	swait.ge [sflag:s23], $0x1  }
0xa9: {  	[sflag:s23] =	ssyncset.done $0x0  }
0xaa: {  	s25 =	simm.s32 $0x1B8E;
	s24 =	sld [smem:$0x3FFE];
	[sflag:s23] =	ssyncadd.s32 $0xFFFFFFFF  }
0xab: {  	s26 =	simm.s32 $execute0_lowered;
	[smem:$0x3FD2] =	sst s25  }
0xac: {  	s6 =	sshll.u32 s26, $0x1;
	_ =	strace $0x80000046;
	[dreg:$0x1] =	wrdreg $0xFFFFFFFF  }
0xad: {  	s28 =	simm.s32 $_size_execute0_lowered;
	s4 =	sadd.s32 s4, s6;
	[dreg:$0x0] =	wrdreg $0x0  }
0xae: {  	s6 =	sshll.u32 s28, $0x1;
	[dreg:$0x2] =	wrdreg s4  }
0xaf: {  	[dreg:$0x3] =	wrdreg s6  }
0xb0: {  	[dreg:$0x4] =	wrdreg $0xC0  }
0xb1: {  	_ =	task [dreg:s8], $0x5FFFF  }
0xb2: {  	[dreg:$0x1] =	wrdreg $0xFFFFFFFF  }
0xb3: {  	[dreg:$0x0] =	wrdreg $0x60  }
0xb4: {  	[dreg:$0x2] =	wrdreg s16  }
0xb5: {  	[dreg:$0x3] =	wrdreg s24  }
0xb6: {  	[dreg:$0x4] =	wrdreg s17  }
0xb7: {  	[dreg:$0x5] =	wrdreg $0x9  }
0xb8: {  	_ =	task.clear_ibuf [dreg:s8], $0x6FFFF;
	_ =	strace $0x90000046  }
0xb9: {  	s29 =	simm.s32 $0x9;
	_ =	strace $0x80000048  }
0xba: {  	_ =	swait.ge [sflag:s29], $0x1  }
0xbb: {  	[sflag:s29] =	ssyncadd.s32 $0xFFFFFFFF  }
0xbc: {  	_ =	strace $0x90000048  }
0xbd: {  	_ =	sfence  }
0xbe: {  	s30 =	sld [smem:$0x0];
	_ =	sdelay $0x2  }
0xbf: {  	s31 =	sshll.u32 s1, $0xD;
	s1 =	sshrl.u32 s1, $0x2  }
0xc0: {  	s3 =	sand.u32 $0x4000, s31;
	s1 =	sadd.s32 s1, s30  }
0xc1: {  	s0 =	sor.u32 s3, s0;
	s1 =	sshll.u32 s1, $0x11  }
0xc2: {  	s0 =	sor.u32 s1, s0  }
0xc3: {  	s0 =	sadd.s32 $0x8F2B, s0  }
0xc4: {  	[sflag:s0] =	ssyncadd.remote.s32 $0x1  }
0xc5: {  	_ =	sfence.sel $0xFFFF  }
0xc6: {  	[dreg:$0x0] =	wrdreg $0xFFFFFFFF;
	(pc) =	sbr.abs _section_cstart, $3  }
0xc7: {  	[dreg:$0x1] =	wrdreg $0xFFFFFFFF  }
0xc8: {  	_ =	task.clear_ibuf [dreg:s8], $0x2FFFF;
	_ =	strace $0x9FFFFFFF  }
0xc9: {  	(tm) =	ssettm $0x7FFFFFFF  }
tec
execute0_lowered:
.L_overlay_start_1:
0x0: {  	(tag) =	ssettag $0x1  }
0x1: {  	s7 =	rddreg [dreg:$0x0]  }
0x2: {  	s3 =	rddreg [dreg:$0x1]  }
0x3: {  	s10 =	rddreg [dreg:$0x2]  }
0x4: {  	s0 =	rddreg [dreg:$0x3]  }
0x5: {  	s2 =	simm.s32 $0x0;
	s4 =	srdreg.scid;
	s1 =	stileid.u32  }
0x6: {  	s14 =	simm.s32 $0x1;
	s15 =	simm.s32 $0x800;
	s16 =	simm.s32 $0x2000  }
0x7: {  	s17 =	simm.s32 $0x1000;
	s18 =	simm.s32 $0x1800;
	s19 =	simm.s32 $0x0  }
0x8: {  	[smem:$0x7FF] =	sst s2;
	s4 =	sand.u32 $0x1, s4;
	s8 =	sadd.s32 $0xE00, s3  }
0x9: {  	s6 =	sshll.u32 s1, $0x6;
	s9 =	sshll.u32 s1, $0xA;
	s12 =	sadd.s32 $0x4E00, s3  }
0xa: {  	s5 =	ssub.s32 $0x2, s4;
	s4 =	sshll.u32 s4, $0x5;
	s6 =	sand.u32 $0x40, s6  }
0xb: {  	s9 =	sand.u32 $0x3800, s9;
	s11 =	sshrl.u32 s5, $0x1;
	s4 =	sor.u32 s4, s6  }
0xc: {  	_ =	strace $0x80000047;
	s11 =	ssub.s32 s5, s11;
	s6 =	sor.u32 s9, s4  }
0xd: {  	s3 =	sadd.s32 s7, s6;
	s4 =	sadd.s32 s8, s6;
	s13 =	sor.u32 $0x10, s6  }
0xe: {  	s5 =	sadd.s32 s12, s6;
	s6 =	sadd.s32 s10, s6;
	s11 =	smax.u32 s11, $0x1  }
0xf: {  	s7 =	sadd.s32 s7, s13;
	s8 =	sadd.s32 s8, s13;
	s9 =	sadd.s32 s12, s13  }
0x10: {  	v0 =	vimm.s32 $0x0;
	v1 =	vlaneseq.u32;
	s10 =	sadd.s32 s10, s13;
	s12 =	simm.s32 $0x80;
	s13 =	simm.s32 $0x400  }
.LBB2_1:
0x11: {  	[tilespmem:s2], [sflag:$0x1] =	stream.strided.gather [hbm4b:s3+s12], $0x800, s13, s12, $0x38;
	[tilespmem:$0x2800] =	vst v63  }
0x12: {  	_ =	swait.ge [sflag:s14], $0x800  }
0x13: {  	[sflag:s14] =	ssyncset.done $0x0  }
0x14: {  	[sflag:s14] =	ssyncadd.s32 $0xFFFFF800  }
0x15: {  	[tilespmem:s15], [sflag:$0x1] =	stream.strided.gather [hbm4b:s4+s12], $0x800, s13, s12, $0x38;
	[tilespmem:$0x2800] =	vst v63  }
0x16: {  	_ =	swait.ge [sflag:s14], $0x800  }
0x17: {  	[sflag:s14] =	ssyncset.done $0x0  }
0x18: {  	s20 =	simm.s32 $0x0;
	[sflag:s14] =	ssyncadd.s32 $0xFFFFF800  }
.LBB2_2:
0x19: {  	p0 =	sne.s32 s20, $0x1FC0  }
.Ltmp0:
0x1a: {  	_ = 	snop;
	(pc) =	sbr.rel @p0 .LBB2_2-.Ltmp0, $3  }
0x1b: {  	_ =	sdelay $0x1  }
0x1c: {  	s21 =	sshra.s32 s20, $0x2  }
0x1d: {  	s20 =	sadd.s32 $0x40, s20;
	[tilespmem:s21+$0x2000] =	vst v0  }
0x1e: {  	s21 =	simm.s32 $0x800  }
0x1f: {  	v2 =	vld [tilespmem:s21+$0x0]  }
0x20: {  	s20 =	simm.s32 $0x0  }
0x21: {  	s22 =	simm.s32 $0x10;
	s23 =	simm.s32 $0x0;
	v3 =	vld [tilespmem:s20+$0x0]  }
.LBB2_4:
0x22: {  	p0 =	sne.s32 s22, $0x7F0;
	_ =	sdelay $0x1  }
0x23: {  	(xrf1) =	vunique.msk.u32 $0xffff, v2;
	_ =	sdelay $0x8  }
0x24: {  	v4 =	vld.idx.msk [tilespmem:v2+s16+$0x0], $0xffff;
	_ =	sdelay $0x4  }
0x25: {  	_, v5, vm0 =	vpop (xrf1)  }
0x26: {  	v4 =	vadd.s32 v4, v5  }
0x27: {  	v5 =	vadd.s32 v2, v4  }
0x28: {  	v5 =	vadd.s32 $0xFFFFFFFF, v5;
	_ =	sdelay $0x4  }
0x29: {  	v6 =	vor.u32 s20, v1;
	s20 =	smov.u32 s22;
	[tilespmem:v5+s17+$0x0] =	vst.idx.msk $0xffff, v3  }
.Ltmp1:
0x2a: {  	[tilespmem:v5+s18+$0x0] =	vst.idx.msk $0xffff, v6;
	(pc) =	sbr.rel @p0 .LBB2_4-.Ltmp1, $4  }
0x2b: {  	s21 =	sadd.s32 $0x10, s21;
	[tilespmem:v2+s16+$0x0] =	vst.idx.msk vm0, v4  }
0x2c: {  	s23 =	sadd.s32 $0x10, s23;
	v2 =	vld [tilespmem:s21+$0x0]  }
0x2d: {  	v3 =	vld [tilespmem:s23+$0x0]  }
0x2e: {  	s22 =	sadd.s32 $0x10, s22  }
0x2f: {  	_ =	sdelay $0x1  }
0x30: {  	(xrf1) =	vunique.msk.u32 $0xffff, v2;
	_ =	sdelay $0x9  }
0x31: {  	v4 =	vld.idx.msk [tilespmem:v2+s16+$0x0], $0xffff;
	_ =	sdelay $0x3  }
0x32: {  	_, v5, vm0 =	vpop (xrf1)  }
0x33: {  	v4 =	vadd.s32 v4, v5  }
0x34: {  	v5 =	vadd.s32 v2, v4  }
0x35: {  	v5 =	vadd.s32 $0xFFFFFFFF, v5;
	_ =	sdelay $0x4  }
0x36: {  	v6 =	vor.u32 s20, v1;
	[tilespmem:v5+s17+$0x0] =	vst.idx.msk $0xffff, v3  }
0x37: {  	[tilespmem:v5+s18+$0x0] =	vst.idx.msk $0xffff, v6  }
0x38: {  	[tilespmem:v2+s16+$0x0] =	vst.idx.msk vm0, v4  }
0x39: {  	[hbm4b:s5+s12] =	stream.strided.scatter [tilespmem:s17], [sflag:$0x1], $0x800, s13, s12, $0x38;
	[tilespmem:$0x2800] =	vst v63  }
0x3a: {  	_ =	swait.ge [sflag:s14], $0x800  }
0x3b: {  	[sflag:s14] =	ssyncset.done $0x0  }
0x3c: {  	[sflag:s14] =	ssyncadd.s32 $0xFFFFF800  }
0x3d: {  	[hbm4b:s6+s12] =	stream.strided.scatter [tilespmem:s18], [sflag:$0x1], $0x800, s13, s12, $0x38;
	[tilespmem:$0x2800] =	vst v63  }
0x3e: {  	_ =	swait.ge [sflag:s14], $0x800  }
0x3f: {  	[sflag:s14] =	ssyncset.done $0x0  }
0x40: {  	s20 =	simm.s32 $0x0;
	[sflag:s14] =	ssyncadd.s32 $0xFFFFF800  }
0x41: {  	[tilespmem:s20], [sflag:$0x1] =	stream.strided.gather [hbm4b:s7+s12], $0x800, s13, s12, $0x38;
	[tilespmem:$0x2800] =	vst v63  }
0x42: {  	_ =	swait.ge [sflag:s14], $0x800  }
0x43: {  	[sflag:s14] =	ssyncset.done $0x0  }
0x44: {  	[sflag:s14] =	ssyncadd.s32 $0xFFFFF800  }
0x45: {  	[tilespmem:s15], [sflag:$0x1] =	stream.strided.gather [hbm4b:s8+s12], $0x800, s13, s12, $0x38;
	[tilespmem:$0x2800] =	vst v63  }
0x46: {  	_ =	swait.ge [sflag:s14], $0x800  }
0x47: {  	[sflag:s14] =	ssyncset.done $0x0  }
0x48: {  	s21 =	simm.s32 $0x0;
	[sflag:s14] =	ssyncadd.s32 $0xFFFFF800  }
.LBB2_6:
0x49: {  	p0 =	sne.s32 s21, $0x1FC0  }
.Ltmp2:
0x4a: {  	_ = 	snop;
	(pc) =	sbr.rel @p0 .LBB2_6-.Ltmp2, $3  }
0x4b: {  	_ =	sdelay $0x1  }
0x4c: {  	s22 =	sshra.s32 s21, $0x2  }
0x4d: {  	s21 =	sadd.s32 $0x40, s21;
	[tilespmem:s22+$0x2000] =	vst v0  }
0x4e: {  	s21 =	simm.s32 $0x800  }
0x4f: {  	v2 =	vld [tilespmem:s21+$0x0];
	_ =	sdelay $0x1  }
0x50: {  	v3 =	vld [tilespmem:s20+$0x0];
	s22 =	simm.s32 $0x10;
	s23 =	simm.s32 $0x0  }
.LBB2_8:
0x51: {  	p0 =	sne.s32 s22, $0x7F0;
	_ =	sdelay $0x1  }
0x52: {  	(xrf1) =	vunique.msk.u32 $0xffff, v2;
	_ =	sdelay $0x8  }
0x53: {  	v4 =	vld.idx.msk [tilespmem:v2+s16+$0x0], $0xffff;
	_ =	sdelay $0x4  }
0x54: {  	_, v5, vm0 =	vpop (xrf1)  }
0x55: {  	v4 =	vadd.s32 v4, v5  }
0x56: {  	v5 =	vadd.s32 v2, v4  }
0x57: {  	v5 =	vadd.s32 $0xFFFFFFFF, v5;
	_ =	sdelay $0x4  }
0x58: {  	v6 =	vor.u32 s20, v1;
	s20 =	smov.u32 s22;
	[tilespmem:v5+s17+$0x0] =	vst.idx.msk $0xffff, v3  }
.Ltmp3:
0x59: {  	[tilespmem:v5+s18+$0x0] =	vst.idx.msk $0xffff, v6;
	(pc) =	sbr.rel @p0 .LBB2_8-.Ltmp3, $4  }
0x5a: {  	s21 =	sadd.s32 $0x10, s21;
	[tilespmem:v2+s16+$0x0] =	vst.idx.msk vm0, v4  }
0x5b: {  	s23 =	sadd.s32 $0x10, s23;
	v2 =	vld [tilespmem:s21+$0x0]  }
0x5c: {  	v3 =	vld [tilespmem:s23+$0x0]  }
0x5d: {  	s22 =	sadd.s32 $0x10, s22  }
0x5e: {  	_ =	sdelay $0x1  }
0x5f: {  	(xrf1) =	vunique.msk.u32 $0xffff, v2;
	_ =	sdelay $0x9  }
0x60: {  	v4 =	vld.idx.msk [tilespmem:v2+s16+$0x0], $0xffff;
	_ =	sdelay $0x3  }
0x61: {  	_, v5, vm0 =	vpop (xrf1)  }
0x62: {  	v4 =	vadd.s32 v4, v5  }
0x63: {  	v5 =	vadd.s32 v2, v4  }
0x64: {  	v5 =	vadd.s32 $0xFFFFFFFF, v5;
	_ =	sdelay $0x4  }
0x65: {  	v6 =	vor.u32 s20, v1;
	[tilespmem:v5+s17+$0x0] =	vst.idx.msk $0xffff, v3  }
0x66: {  	[tilespmem:v5+s18+$0x0] =	vst.idx.msk $0xffff, v6  }
0x67: {  	[tilespmem:v2+s16+$0x0] =	vst.idx.msk vm0, v4  }
0x68: {  	[hbm4b:s9+s12] =	stream.strided.scatter [tilespmem:s17], [sflag:$0x1], $0x800, s13, s12, $0x38;
	[tilespmem:$0x2800] =	vst v63  }
0x69: {  	s19 =	sadd.s32 $0x1, s19;
	_ =	swait.ge [sflag:s14], $0x800  }
0x6a: {  	p0 =	sne.s32 s19, s11;
	[sflag:s14] =	ssyncset.done $0x0  }
.Ltmp4:
0x6b: {  	[sflag:s14] =	ssyncadd.s32 $0xFFFFF800;
	(pc) =	sbr.rel @p0 .LBB2_1-.Ltmp4, $4  }
0x6c: {  	[hbm4b:s10+s12] =	stream.strided.scatter [tilespmem:s18], [sflag:$0x1], $0x800, s13, s12, $0x38;
	[tilespmem:$0x2800] =	vst v63  }
0x6d: {  	_ =	swait.ge [sflag:s14], $0x800  }
0x6e: {  	[sflag:s14] =	ssyncset.done $0x0  }
0x6f: {  	[sflag:s14] =	ssyncadd.s32 $0xFFFFF800  }
0x70: {  	_ =	sfence.sel $0x180000  }
0x71: {  	[bflag:$0x0] =	sbarrier.arrive $0xFFFF  }
0x72: {  	p0 =	sne.s32 s1, $0x0;
	_ =	strace $0x90000047  }
0x73: {  	s0 =	sadd.s32 @!p0 $0x100000, s0;
	[bflag:$0x2] =	sbarrier.arrive $0xFFFF  }
0x74: {  	[sflag:s0] =	ssyncadd.tile.s32 @!p0 $0x1;
	_ =	shalt  }
.Lfunc_end2:
_tile_overlayer_lowered:
.L_overlay_start_2:
0x75: {  	(tag) =	ssettag $0x2  }
0x76: {  	s0 =	rddreg [dreg:$0x0];
	s2 =	stileid.u32  }
0x77: {  	s1 =	rddreg [dreg:$0x1];
	p0 =	sne.s32 s2, $0x0  }
0x78: {  	s3 =	rddreg [dreg:$0x2];
	[bflag:$0x3] =	sbarrier.arrive $0xFFFF;
	s2 =	simm.s32 @!p0 $0x1C01  }
0x79: {  	[timem:s3], [sflag:s2] =	dma.local @!p0 [hbm:s0], s1  }
0x7a: {  	s0 =	simm.s32 @!p0 $0x1  }
0x7b: {  	_ =	swait.ge @!p0 [sflag:s0], s1  }
0x7c: {  	s1 =	ssub.s32 @!p0 $0x0, s1;
	[sflag:s0] =	ssyncset.done @!p0 $0x0  }
0x7d: {  	[sflag:s0] =	ssyncadd.s32 @!p0 s1  }
0x7e: {  	[bflag:$0x3] =	sbarrier.arrive $0xFFFF  }
0x7f: {  	_ =	shalt  }

</sc_bundles>
